<compile_context>
chip_gen: v7x
topology: tpu7x:2x2x1
jax: 0.10.2.dev20260603
libtpu: 0.0.44.dev20260713+nightly
codegen_flags: <defaults>
</compile_context>

<pallas_src>
import jax
import jax.numpy as jnp
from jax import lax
from jax.experimental import pallas as pl
from jax.experimental.pallas import tpu as pltpu
from jax.experimental.pallas import tpu_sc as plsc

B, S, D = 4096, 200, 128
N = B * S
VOCAB = 100000
NC, NS = 2, 16
NW = NC * NS
TOK_PER_W = N // NW
K = 64
CHUNKS = TOK_PER_W // K
EPS = 1e-12

_mesh = plsc.VectorSubcoreMesh(
    core_axis_name="c", subcore_axis_name="s", num_cores=NC, num_subcores=NS)


def _bcast16(vec, j):
  return vec.at[jnp.full((16,), j, jnp.int32)].get(mode="promise_in_bounds")


def _sc_embed_ln_body(ids3_hbm, wemb_hbm, pos_hbm, semb_hbm,
                      g_hbm, b_hbm, out_hbm,
                      pos_tab, span_tab, g_tab, b_tab,
                      ibuf0, ibuf1, wbuf0, wbuf1, obuf0, obuf1, svb0, svb1,
                      isem0, isem1, gsem0, gsem1, osem0, osem1):
  wid = lax.axis_index("s") * NC + lax.axis_index("c")
  wbase = wid * TOK_PER_W
  cbase = wid * CHUNKS

  pltpu.sync_copy(pos_hbm, pos_tab)
  pltpu.sync_copy(semb_hbm, span_tab)
  pltpu.sync_copy(g_hbm, g_tab)
  pltpu.sync_copy(b_hbm, b_tab)

  lanes = lax.iota(jnp.int32, 16)
  zero = jnp.zeros((16,), jnp.float32)

  def issue_ids(c, ibuf, isem):
    pltpu.async_copy(ids3_hbm.at[cbase + c], ibuf, isem)

  def wait_ids(c, ibuf, isem):
    pltpu.make_async_copy(ids3_hbm.at[cbase + c], ibuf, isem).wait()

  def issue_gather(ibuf, wbuf, gsem):
    pltpu.async_copy(wemb_hbm.at[ibuf.at[0]], wbuf, gsem)

  def wait_gather(ibuf, wbuf, gsem):
    pltpu.make_async_copy(wemb_hbm.at[ibuf.at[0]], wbuf, gsem).wait()

  def issue_out(c, obuf, osem):
    pltpu.async_copy(obuf, out_hbm.at[pl.ds(wbase + c * K, K)], osem)

  def wait_out(c, obuf, osem):
    pltpu.make_async_copy(
        obuf, out_hbm.at[pl.ds(wbase + c * K, K)], osem).wait()

  def stage_sv(ibuf, svb):
    for g in range(K // 16):
      svb[pl.ds(g * 16, 16)] = ibuf[1, pl.ds(g * 16, 16)]

  def compute(cloc, svb, wbuf, obuf):
    gstrips = [g_tab[pl.ds(kk * 16, 16)] for kk in range(D // 16)]
    bstrips = [b_tab[pl.ds(kk * 16, 16)] for kk in range(D // 16)]

    def group_body(g, carry2):
      lt = g * 16 + lanes
      pv = lax.rem(cloc * K + lt, S)
      sv = svb[pl.ds(g * 16, 16)]

      def pass1(d, accs):
        s_, q_ = accs
        dl = lax.bitwise_and(lanes + d, D - 1)
        x = (plsc.load_gather(wbuf, [lt, dl])
             + plsc.load_gather(span_tab, [sv, dl])
             + plsc.load_gather(pos_tab, [pv, dl]))
        plsc.store_scatter(wbuf, [lt, dl], x)
        return s_ + x, q_ + x * x

      s_, q_ = plsc.parallel_loop(
          0, D, unroll=8, carry=(zero, zero))(pass1)
      mean = s_ * (1.0 / D)
      var = q_ * (1.0 / D) - mean * mean
      v = var + EPS
      y = plsc.bitcast(
          jnp.int32(0x5F3759DF) - lax.shift_right_logical(
              plsc.bitcast(v, jnp.int32), 1), jnp.float32)
      y = y * (1.5 - 0.5 * v * y * y)
      y = y * (1.5 - 0.5 * v * y * y)
      y = y * (1.5 - 0.5 * v * y * y)
      shift = -mean * y

      @plsc.parallel_loop(0, 16, unroll=4)
      def _(t):
        tok = g * 16 + t
        yt = _bcast16(y, t)
        st = _bcast16(shift, t)
        for kk in range(D // 16):
          x = wbuf[tok, pl.ds(kk * 16, 16)]
          obuf[tok, pl.ds(kk * 16, 16)] = (
              (x * yt + st) * gstrips[kk] + bstrips[kk])

      return carry2

    lax.fori_loop(0, K // 16, group_body, 0)

  pltpu.sync_copy(ids3_hbm.at[cbase], ibuf0)
  issue_gather(ibuf0, wbuf0, gsem0)
  issue_ids(1, ibuf1, isem1)

  def step(i, carry):
    a = 2 * i
    b = a + 1
    wait_ids(b, ibuf1, isem1)
    issue_gather(ibuf1, wbuf1, gsem1)
    wait_gather(ibuf0, wbuf0, gsem0)
    stage_sv(ibuf0, svb0)

    @pl.when(a + 2 < CHUNKS)
    def _():
      issue_ids(a + 2, ibuf0, isem0)

    @pl.when(i > 0)
    def _():
      wait_out(a - 2, obuf0, osem0)

    compute(a, svb0, wbuf0, obuf0)
    issue_out(a, obuf0, osem0)

    @pl.when(a + 2 < CHUNKS)
    def _():
      wait_ids(a + 2, ibuf0, isem0)
      issue_gather(ibuf0, wbuf0, gsem0)

    wait_gather(ibuf1, wbuf1, gsem1)
    stage_sv(ibuf1, svb1)

    @pl.when(b + 2 < CHUNKS)
    def _():
      issue_ids(b + 2, ibuf1, isem1)

    @pl.when(i > 0)
    def _():
      wait_out(b - 2, obuf1, osem1)

    compute(b, svb1, wbuf1, obuf1)
    issue_out(b, obuf1, osem1)

    return carry

  lax.fori_loop(0, CHUNKS // 2, step, 0)
  wait_out(CHUNKS - 2, obuf0, osem0)
  wait_out(CHUNKS - 1, obuf1, osem1)


_sc_embed_ln = pl.kernel(
    _sc_embed_ln_body,
    out_type=jax.ShapeDtypeStruct((N, D), jnp.float32),
    mesh=_mesh,
    compiler_params=pltpu.CompilerParams(needs_layout_passes=False),
    scratch_types=[
        pltpu.VMEM((S, D), jnp.float32),
        pltpu.VMEM((512, D), jnp.float32),
        pltpu.VMEM((D,), jnp.float32),
        pltpu.VMEM((D,), jnp.float32),
        pltpu.VMEM((2, K), jnp.int32),
        pltpu.VMEM((2, K), jnp.int32),
        pltpu.VMEM((K, D), jnp.float32),
        pltpu.VMEM((K, D), jnp.float32),
        pltpu.VMEM((K, D), jnp.float32),
        pltpu.VMEM((K, D), jnp.float32),
        pltpu.VMEM((K,), jnp.int32),
        pltpu.VMEM((K,), jnp.int32),
        pltpu.SemaphoreType.DMA,
        pltpu.SemaphoreType.DMA,
        pltpu.SemaphoreType.DMA,
        pltpu.SemaphoreType.DMA,
        pltpu.SemaphoreType.DMA,
        pltpu.SemaphoreType.DMA,
    ],
)


def kernel(input_ids, token_type_ids, span_ids, word_emb, pos_emb, type_emb,
           span_emb, ln_gamma, ln_beta):
  wt_ids = (input_ids.astype(jnp.int32)
            + VOCAB * token_type_ids.astype(jnp.int32))
  ids3 = jnp.stack([
      wt_ids.reshape(N // K, K),
      span_ids.reshape(N // K, K).astype(jnp.int32),
  ], axis=1)
  wemb_aug = jnp.concatenate(
      [word_emb, word_emb + (type_emb[1] - type_emb[0])[None, :]], axis=0)
  pos_t0 = pos_emb[:S] + type_emb[0][None, :]
  out = _sc_embed_ln(ids3, wemb_aug, pos_t0, span_emb, ln_gamma, ln_beta)
  return out.reshape(B, S, D)

# --- scband reference (transcript-rebuilt; emitter-appended) ---
"""Pipeline reference for scband-custom-electra-embeddings-33706903339155 (READ-ONLY COPY).

The authoritative reference and input builder live on the scoring server;
editing this copy changes nothing except your own understanding.
"""

import jax, jax.numpy as jnp
import numpy as np

B, S, D = 4096, 200, 128
VOCAB = 100000
MAX_POS = 512
TYPE_VOCAB = 2
MAX_SEQ = 512
EPS = 1e-12


def setup_inputs(seed: int = 0) -> dict:
    key = jax.random.key(seed)
    ks = jax.random.split(key, 9)
    input_ids = jax.random.randint(ks[0], (B, S), 0, VOCAB)
    token_type_ids = jax.random.randint(ks[1], (B, S), 0, TYPE_VOCAB)
    span_ids = jax.random.randint(ks[2], (B, S), 0, MAX_SEQ)
    word_emb = jax.random.normal(ks[3], (VOCAB, D), dtype=jnp.float32) * 0.02
    pos_emb = jax.random.normal(ks[4], (MAX_POS, D), dtype=jnp.float32) * 0.02
    type_emb = jax.random.normal(ks[5], (TYPE_VOCAB, D), dtype=jnp.float32) * 0.02
    span_emb = jax.random.normal(ks[6], (MAX_SEQ, D), dtype=jnp.float32) * 0.02
    ln_gamma = jnp.ones((D,), dtype=jnp.float32)
    ln_beta = jnp.zeros((D,), dtype=jnp.float32)
    return {
        "input_ids": input_ids,
        "token_type_ids": token_type_ids,
        "span_ids": span_ids,
        "word_emb": word_emb,
        "pos_emb": pos_emb,
        "type_emb": type_emb,
        "span_emb": span_emb,
        "ln_gamma": ln_gamma,
        "ln_beta": ln_beta,
    }


def reference(input_ids, token_type_ids, span_ids, word_emb, pos_emb, type_emb, span_emb, ln_gamma, ln_beta):
    seq_length = input_ids.shape[1]
    # word embedding lookup
    inputs_embeds = jnp.take(word_emb, input_ids, axis=0)
    # token type embedding lookup
    token_type_embeddings = jnp.take(type_emb, token_type_ids, axis=0)
    # span embedding lookup
    span_embed = jnp.take(span_emb, span_ids, axis=0)
    embeddings = inputs_embeds + token_type_embeddings + span_embed
    # absolute position embeddings (position_ids = arange(seq_length))
    position_ids = jnp.arange(seq_length)
    position_embeddings = jnp.take(pos_emb, position_ids, axis=0)
    embeddings = embeddings + position_embeddings[None, :, :]
    # LayerNorm over last dim
    mean = jnp.mean(embeddings, axis=-1, keepdims=True)
    var = jnp.mean(jnp.square(embeddings - mean), axis=-1, keepdims=True)
    normed = (embeddings - mean) / jnp.sqrt(var + EPS)
    out = normed * ln_gamma + ln_beta
    # dropout p=0.0 (eval) -> identity
    return out

if __name__ == "__main__":
    import jax
    _d = setup_inputs()
    print(jax.jit(kernel)(*tuple(_d.values())))

</pallas_src>

<mosaic_0001>
#map = affine_map<(d0, d1) -> (0, 0, 0)>
#map1 = affine_map<(d0, d1) -> (0, 0)>
#map2 = affine_map<(d0, d1) -> (0)>
module attributes {stable_mosaic.version = 14 : i64} {
  func.func @_sc_embed_ln_body(%arg0: i32, %arg1: i32, %arg2: memref<12800x2x64xi32, #tpu.memory_space<hbm>>, %arg3: memref<200000x128xf32, #tpu.memory_space<hbm>>, %arg4: memref<200x128xf32, #tpu.memory_space<hbm>>, %arg5: memref<512x128xf32, #tpu.memory_space<hbm>>, %arg6: memref<128xf32, #tpu.memory_space<hbm>>, %arg7: memref<128xf32, #tpu.memory_space<hbm>>, %arg8: memref<819200x128xf32, #tpu.memory_space<hbm>>, %arg9: memref<200x128xf32, #tpu.memory_space<vmem>>, %arg10: memref<512x128xf32, #tpu.memory_space<vmem>>, %arg11: memref<128xf32, #tpu.memory_space<vmem>>, %arg12: memref<128xf32, #tpu.memory_space<vmem>>, %arg13: memref<2x64xi32, #tpu.memory_space<vmem>>, %arg14: memref<2x64xi32, #tpu.memory_space<vmem>>, %arg15: memref<64x128xf32, #tpu.memory_space<vmem>>, %arg16: memref<64x128xf32, #tpu.memory_space<vmem>>, %arg17: memref<64x128xf32, #tpu.memory_space<vmem>>, %arg18: memref<64x128xf32, #tpu.memory_space<vmem>>, %arg19: memref<64xi32, #tpu.memory_space<vmem>>, %arg20: memref<64xi32, #tpu.memory_space<vmem>>, %arg21: memref<!tpu.dma_semaphore, #tpu.memory_space<semaphore_mem>>, %arg22: memref<!tpu.dma_semaphore, #tpu.memory_space<semaphore_mem>>, %arg23: memref<!tpu.dma_semaphore, #tpu.memory_space<semaphore_mem>>, %arg24: memref<!tpu.dma_semaphore, #tpu.memory_space<semaphore_mem>>, %arg25: memref<!tpu.dma_semaphore, #tpu.memory_space<semaphore_mem>>, %arg26: memref<!tpu.dma_semaphore, #tpu.memory_space<semaphore_mem>>) attributes {dimension_semantics = [#tpu.dimension_semantics<core_parallel>, #tpu.dimension_semantics<subcore_parallel>], iteration_bounds = array<i64: 2, 16>, scalar_prefetch = 0 : i64, scratch_operands = 18 : i64, tpu.core_type = #tpu.core_type<sc_vector_subcore>, window_params = [{transform_indices = #map}, {transform_indices = #map1}, {transform_indices = #map1}, {transform_indices = #map1}, {transform_indices = #map2}, {transform_indices = #map2}, {transform_indices = #map1}]} {
    %mul3A = arith.constant 2 : i32
    %mul3A_0 = arith.muli %arg1, %mul3A : i32
    %add3A = arith.addi %mul3A_0, %arg0 : i32
    %mul3A_1 = arith.constant 25600 : i32
    %mul3A_2 = arith.muli %add3A, %mul3A_1 : i32
    %mul3A_3 = arith.constant 400 : i32
    %mul3A_4 = arith.muli %add3A, %mul3A_3 : i32
    "tpu.region"() ({
      %run_scoped3A = tpu.sem_alloc : memref<!tpu.dma_semaphore, #tpu.memory_space<semaphore_mem>>
      tpu.enqueue_dma source(%arg4 : memref<200x128xf32, #tpu.memory_space<hbm>>) target(%arg9 : memref<200x128xf32, #tpu.memory_space<vmem>>) target_semaphore(%run_scoped3A : memref<!tpu.dma_semaphore, #tpu.memory_space<semaphore_mem>>)
      tpu.wait_dma2 semaphore(%run_scoped3A : memref<!tpu.dma_semaphore, #tpu.memory_space<semaphore_mem>>) src(%arg4 : memref<200x128xf32, #tpu.memory_space<hbm>>) dst(%arg9 : memref<200x128xf32, #tpu.memory_space<vmem>>)
      tpu.yield
    }) : () -> ()
    "tpu.region"() ({
      %run_scoped3A = tpu.sem_alloc : memref<!tpu.dma_semaphore, #tpu.memory_space<semaphore_mem>>
      tpu.enqueue_dma source(%arg5 : memref<512x128xf32, #tpu.memory_space<hbm>>) target(%arg10 : memref<512x128xf32, #tpu.memory_space<vmem>>) target_semaphore(%run_scoped3A : memref<!tpu.dma_semaphore, #tpu.memory_space<semaphore_mem>>)
      tpu.wait_dma2 semaphore(%run_scoped3A : memref<!tpu.dma_semaphore, #tpu.memory_space<semaphore_mem>>) src(%arg5 : memref<512x128xf32, #tpu.memory_space<hbm>>) dst(%arg10 : memref<512x128xf32, #tpu.memory_space<vmem>>)
      tpu.yield
    }) : () -> ()
    "tpu.region"() ({
      %run_scoped3A = tpu.sem_alloc : memref<!tpu.dma_semaphore, #tpu.memory_space<semaphore_mem>>
      tpu.enqueue_dma source(%arg6 : memref<128xf32, #tpu.memory_space<hbm>>) target(%arg11 : memref<128xf32, #tpu.memory_space<vmem>>) target_semaphore(%run_scoped3A : memref<!tpu.dma_semaphore, #tpu.memory_space<semaphore_mem>>)
      tpu.wait_dma2 semaphore(%run_scoped3A : memref<!tpu.dma_semaphore, #tpu.memory_space<semaphore_mem>>) src(%arg6 : memref<128xf32, #tpu.memory_space<hbm>>) dst(%arg11 : memref<128xf32, #tpu.memory_space<vmem>>)
      tpu.yield
    }) : () -> ()
    "tpu.region"() ({
      %run_scoped3A = tpu.sem_alloc : memref<!tpu.dma_semaphore, #tpu.memory_space<semaphore_mem>>
      tpu.enqueue_dma source(%arg7 : memref<128xf32, #tpu.memory_space<hbm>>) target(%arg12 : memref<128xf32, #tpu.memory_space<vmem>>) target_semaphore(%run_scoped3A : memref<!tpu.dma_semaphore, #tpu.memory_space<semaphore_mem>>)
      tpu.wait_dma2 semaphore(%run_scoped3A : memref<!tpu.dma_semaphore, #tpu.memory_space<semaphore_mem>>) src(%arg7 : memref<128xf32, #tpu.memory_space<hbm>>) dst(%arg12 : memref<128xf32, #tpu.memory_space<vmem>>)
      tpu.yield
    }) : () -> ()
    %iota3A = tpu.iota {dimensions = array<i32: 0>} : vector<16xi32>
    %broadcast_in_dim3A = arith.constant 0.000000e+00 : f32
    %broadcast_in_dim3A_5 = vector.broadcast %broadcast_in_dim3A : f32 to vector<16xf32>
    "tpu.region"() ({
      %run_scoped3A = tpu.sem_alloc : memref<!tpu.dma_semaphore, #tpu.memory_space<semaphore_mem>>
      %dma_start3A_38 = arith.constant 0 : i32
      %dma_start3A_39 = arith.constant 0 : i32
      %dma_start3A_40 = tpu.memref_slice %arg2[%mul3A_4, %dma_start3A_38, %dma_start3A_39] : memref<12800x2x64xi32, #tpu.memory_space<hbm>> -> memref<1x2x64xi32, #tpu.memory_space<hbm>>
      %dma_start3A_41 = tpu.memref_squeeze %dma_start3A_40 : memref<1x2x64xi32, #tpu.memory_space<hbm>> -> memref<2x64xi32, #tpu.memory_space<hbm>>
      %dma_start3A_42 = arith.constant 0 : i32
      %dma_start3A_43 = arith.constant 0 : i32
      %dma_start3A_44 = tpu.memref_slice %arg2[%mul3A_4, %dma_start3A_42, %dma_start3A_43] : memref<12800x2x64xi32, #tpu.memory_space<hbm>> -> memref<1x2x64xi32, #tpu.memory_space<hbm>>
      %dma_start3A_45 = tpu.memref_squeeze %dma_start3A_44 : memref<1x2x64xi32, #tpu.memory_space<hbm>> -> memref<2x64xi32, #tpu.memory_space<hbm>>
      tpu.enqueue_dma source(%dma_start3A_45 : memref<2x64xi32, #tpu.memory_space<hbm>>) target(%arg13 : memref<2x64xi32, #tpu.memory_space<vmem>>) target_semaphore(%run_scoped3A : memref<!tpu.dma_semaphore, #tpu.memory_space<semaphore_mem>>)
      %dma_wait3A_46 = arith.constant 0 : i32
      %dma_wait3A_47 = arith.constant 0 : i32
      %dma_wait3A_48 = tpu.memref_slice %arg2[%mul3A_4, %dma_wait3A_46, %dma_wait3A_47] : memref<12800x2x64xi32, #tpu.memory_space<hbm>> -> memref<1x2x64xi32, #tpu.memory_space<hbm>>
      %dma_wait3A_49 = tpu.memref_squeeze %dma_wait3A_48 : memref<1x2x64xi32, #tpu.memory_space<hbm>> -> memref<2x64xi32, #tpu.memory_space<hbm>>
      %dma_wait3A_50 = arith.constant 0 : i32
      %dma_wait3A_51 = arith.constant 0 : i32
      %dma_wait3A_52 = tpu.memref_slice %arg2[%mul3A_4, %dma_wait3A_50, %dma_wait3A_51] : memref<12800x2x64xi32, #tpu.memory_space<hbm>> -> memref<1x2x64xi32, #tpu.memory_space<hbm>>
      %dma_wait3A_53 = tpu.memref_squeeze %dma_wait3A_52 : memref<1x2x64xi32, #tpu.memory_space<hbm>> -> memref<2x64xi32, #tpu.memory_space<hbm>>
      tpu.wait_dma2 semaphore(%run_scoped3A : memref<!tpu.dma_semaphore, #tpu.memory_space<semaphore_mem>>) src(%dma_wait3A_53 : memref<2x64xi32, #tpu.memory_space<hbm>>) dst(%arg13 : memref<2x64xi32, #tpu.memory_space<vmem>>)
      tpu.yield
    }) : () -> ()
    %dma_start3A = arith.constant 0 : i32
    %dma_start3A_6 = arith.constant 0 : i32
    %dma_start3A_7 = tpu.memref_slice %arg13[%dma_start3A, %dma_start3A_6] : memref<2x64xi32, #tpu.memory_space<vmem>> -> memref<1x64xi32, #tpu.memory_space<vmem>>
    %dma_start3A_8 = tpu.memref_squeeze %dma_start3A_7 : memref<1x64xi32, #tpu.memory_space<vmem>> -> memref<64xi32, #tpu.memory_space<vmem>>
    %dma_start3A_9 = arith.constant 0 : i32
    %dma_start3A_10 = arith.constant 0 : i32
    %dma_start3A_11 = tpu.memref_slice %arg3[%dma_start3A_9, %dma_start3A_10] : memref<200000x128xf32, #tpu.memory_space<hbm>> -> memref<200000x128xf32, #tpu.memory_space<hbm>>
    tpu.enqueue_indirect_dma source(%dma_start3A_11 : memref<200000x128xf32, #tpu.memory_space<hbm>>) target(%arg15 : memref<64x128xf32, #tpu.memory_space<vmem>>) offsets(%dma_start3A_8 : memref<64xi32, #tpu.memory_space<vmem>>) semaphore(%arg23 : memref<!tpu.dma_semaphore, #tpu.memory_space<semaphore_mem>>)
    %add3A_12 = arith.constant 1 : i32
    %add3A_13 = arith.addi %mul3A_4, %add3A_12 : i32
    %dma_start3A_14 = arith.constant 0 : i32
    %dma_start3A_15 = arith.constant 0 : i32
    %dma_start3A_16 = tpu.memref_slice %arg2[%add3A_13, %dma_start3A_14, %dma_start3A_15] : memref<12800x2x64xi32, #tpu.memory_space<hbm>> -> memref<1x2x64xi32, #tpu.memory_space<hbm>>
    %dma_start3A_17 = tpu.memref_squeeze %dma_start3A_16 : memref<1x2x64xi32, #tpu.memory_space<hbm>> -> memref<2x64xi32, #tpu.memory_space<hbm>>
    %dma_start3A_18 = arith.constant 0 : i32
    %dma_start3A_19 = arith.constant 0 : i32
    %dma_start3A_20 = tpu.memref_slice %arg2[%add3A_13, %dma_start3A_18, %dma_start3A_19] : memref<12800x2x64xi32, #tpu.memory_space<hbm>> -> memref<1x2x64xi32, #tpu.memory_space<hbm>>
    %dma_start3A_21 = tpu.memref_squeeze %dma_start3A_20 : memref<1x2x64xi32, #tpu.memory_space<hbm>> -> memref<2x64xi32, #tpu.memory_space<hbm>>
    tpu.enqueue_dma source(%dma_start3A_21 : memref<2x64xi32, #tpu.memory_space<hbm>>) target(%arg14 : memref<2x64xi32, #tpu.memory_space<vmem>>) target_semaphore(%arg22 : memref<!tpu.dma_semaphore, #tpu.memory_space<semaphore_mem>>)
    %scan3A = arith.constant 0 : i32
    %scan3A_22 = arith.constant 0 : i32
    %scan3A_23 = arith.constant 200 : i32
    %scan3A_24 = arith.addi %scan3A_22, %scan3A_23 : i32
    %scan3A_25 = arith.constant 1 : i32
    scf.for %scan3A_38 = %scan3A_22 to %scan3A_24 step %scan3A_25  : i32 {
      %mul3A_39 = arith.constant 2 : i32
      %mul3A_40 = arith.muli %mul3A_39, %scan3A_38 : i32
      %add3A_41 = arith.constant 1 : i32
      %add3A_42 = arith.addi %mul3A_40, %add3A_41 : i32
      %add3A_43 = arith.addi %mul3A_4, %add3A_42 : i32
      %dma_wait3A_44 = arith.constant 0 : i32
      %dma_wait3A_45 = arith.constant 0 : i32
      %dma_wait3A_46 = tpu.memref_slice %arg2[%add3A_43, %dma_wait3A_44, %dma_wait3A_45] : memref<12800x2x64xi32, #tpu.memory_space<hbm>> -> memref<1x2x64xi32, #tpu.memory_space<hbm>>
      %dma_wait3A_47 = tpu.memref_squeeze %dma_wait3A_46 : memref<1x2x64xi32, #tpu.memory_space<hbm>> -> memref<2x64xi32, #tpu.memory_space<hbm>>
      %dma_wait3A_48 = arith.constant 0 : i32
      %dma_wait3A_49 = arith.constant 0 : i32
      %dma_wait3A_50 = tpu.memref_slice %arg2[%add3A_43, %dma_wait3A_48, %dma_wait3A_49] : memref<12800x2x64xi32, #tpu.memory_space<hbm>> -> memref<1x2x64xi32, #tpu.memory_space<hbm>>
      %dma_wait3A_51 = tpu.memref_squeeze %dma_wait3A_50 : memref<1x2x64xi32, #tpu.memory_space<hbm>> -> memref<2x64xi32, #tpu.memory_space<hbm>>
      tpu.wait_dma2 semaphore(%arg22 : memref<!tpu.dma_semaphore, #tpu.memory_space<semaphore_mem>>) src(%dma_wait3A_51 : memref<2x64xi32, #tpu.memory_space<hbm>>) dst(%arg14 : memref<2x64xi32, #tpu.memory_space<vmem>>)
      %dma_start3A_52 = arith.constant 0 : i32
      %dma_start3A_53 = arith.constant 0 : i32
      %dma_start3A_54 = tpu.memref_slice %arg14[%dma_start3A_52, %dma_start3A_53] : memref<2x64xi32, #tpu.memory_space<vmem>> -> memref<1x64xi32, #tpu.memory_space<vmem>>
      %dma_start3A_55 = tpu.memref_squeeze %dma_start3A_54 : memref<1x64xi32, #tpu.memory_space<vmem>> -> memref<64xi32, #tpu.memory_space<vmem>>
      %dma_start3A_56 = arith.constant 0 : i32
      %dma_start3A_57 = arith.constant 0 : i32
      %dma_start3A_58 = tpu.memref_slice %arg3[%dma_start3A_56, %dma_start3A_57] : memref<200000x128xf32, #tpu.memory_space<hbm>> -> memref<200000x128xf32, #tpu.memory_space<hbm>>
      tpu.enqueue_indirect_dma source(%dma_start3A_58 : memref<200000x128xf32, #tpu.memory_space<hbm>>) target(%arg16 : memref<64x128xf32, #tpu.memory_space<vmem>>) offsets(%dma_start3A_55 : memref<64xi32, #tpu.memory_space<vmem>>) semaphore(%arg24 : memref<!tpu.dma_semaphore, #tpu.memory_space<semaphore_mem>>)
      %dma_wait3A_59 = arith.constant 0 : i32
      %dma_wait3A_60 = arith.constant 0 : i32
      %dma_wait3A_61 = tpu.memref_slice %arg13[%dma_wait3A_59, %dma_wait3A_60] : memref<2x64xi32, #tpu.memory_space<vmem>> -> memref<1x64xi32, #tpu.memory_space<vmem>>
      %dma_wait3A_62 = tpu.memref_squeeze %dma_wait3A_61 : memref<1x64xi32, #tpu.memory_space<vmem>> -> memref<64xi32, #tpu.memory_space<vmem>>
      %dma_wait3A_63 = arith.constant 0 : i32
      %dma_wait3A_64 = arith.constant 0 : i32
      %dma_wait3A_65 = tpu.memref_slice %arg3[%dma_wait3A_63, %dma_wait3A_64] : memref<200000x128xf32, #tpu.memory_space<hbm>> -> memref<200000x128xf32, #tpu.memory_space<hbm>>
      tpu.wait_indirect_dma semaphore(%arg23 : memref<!tpu.dma_semaphore, #tpu.memory_space<semaphore_mem>>) src(%dma_wait3A_65 : memref<200000x128xf32, #tpu.memory_space<hbm>>) dst(%arg15 : memref<64x128xf32, #tpu.memory_space<vmem>>)
      %get3A = arith.constant 1 : i32
      %get3A_66 = arith.index_cast %get3A : i32 to index
      %get3A_67 = arith.constant 0 : index
      %get3A_68 = tpu.vector_load %arg13[%get3A_66, %get3A_67] {strides = array<i32>} : memref<2x64xi32, #tpu.memory_space<vmem>>, vector<16xi32>,
      %swap3A = arith.constant 0 : index
      %swap3A_69 = tpu.vector_load %arg19[%swap3A] {strides = array<i32>} : memref<64xi32, #tpu.memory_space<vmem>>, vector<16xi32>,
      tpu.vector_store %arg19[%swap3A], %get3A_68 {strides = array<i32>} : memref<64xi32, #tpu.memory_space<vmem>>, vector<16xi32>,
      %get3A_70 = arith.constant 1 : i32
      %get3A_71 = arith.index_cast %get3A_70 : i32 to index
      %get3A_72 = arith.constant 16 : index
      %get3A_73 = tpu.vector_load %arg13[%get3A_71, %get3A_72] {strides = array<i32>} : memref<2x64xi32, #tpu.memory_space<vmem>>, vector<16xi32>,
      %swap3A_74 = arith.constant 16 : index
      %swap3A_75 = tpu.vector_load %arg19[%swap3A_74] {strides = array<i32>} : memref<64xi32, #tpu.memory_space<vmem>>, vector<16xi32>,
      tpu.vector_store %arg19[%swap3A_74], %get3A_73 {strides = array<i32>} : memref<64xi32, #tpu.memory_space<vmem>>, vector<16xi32>,
      %get3A_76 = arith.constant 1 : i32
      %get3A_77 = arith.index_cast %get3A_76 : i32 to index
      %get3A_78 = arith.constant 32 : index
      %get3A_79 = tpu.vector_load %arg13[%get3A_77, %get3A_78] {strides = array<i32>} : memref<2x64xi32, #tpu.memory_space<vmem>>, vector<16xi32>,
      %swap3A_80 = arith.constant 32 : index
      %swap3A_81 = tpu.vector_load %arg19[%swap3A_80] {strides = array<i32>} : memref<64xi32, #tpu.memory_space<vmem>>, vector<16xi32>,
      tpu.vector_store %arg19[%swap3A_80], %get3A_79 {strides = array<i32>} : memref<64xi32, #tpu.memory_space<vmem>>, vector<16xi32>,
      %get3A_82 = arith.constant 1 : i32
      %get3A_83 = arith.index_cast %get3A_82 : i32 to index
      %get3A_84 = arith.constant 48 : index
      %get3A_85 = tpu.vector_load %arg13[%get3A_83, %get3A_84] {strides = array<i32>} : memref<2x64xi32, #tpu.memory_space<vmem>>, vector<16xi32>,
      %swap3A_86 = arith.constant 48 : index
      %swap3A_87 = tpu.vector_load %arg19[%swap3A_86] {strides = array<i32>} : memref<64xi32, #tpu.memory_space<vmem>>, vector<16xi32>,
      tpu.vector_store %arg19[%swap3A_86], %get3A_85 {strides = array<i32>} : memref<64xi32, #tpu.memory_space<vmem>>, vector<16xi32>,
      %add3A_88 = arith.constant 2 : i32
      %add3A_89 = arith.addi %mul3A_40, %add3A_88 : i32
      %lt3A = arith.constant 400 : i32
      %lt3A_90 = arith.cmpi slt, %add3A_89, %lt3A : i32
      %convert_element_type3A = arith.extui %lt3A_90 : i1 to i32
      %cond3A = arith.constant 0 : i32
      %cond3A_91 = arith.cmpi ne, %convert_element_type3A, %cond3A : i32
      scf.if %cond3A_91 {
        %add3A_236 = arith.constant 2 : i32
        %add3A_237 = arith.addi %mul3A_40, %add3A_236 : i32
        %add3A_238 = arith.addi %mul3A_4, %add3A_237 : i32
        %dma_start3A_239 = arith.constant 0 : i32
        %dma_start3A_240 = arith.constant 0 : i32
        %dma_start3A_241 = tpu.memref_slice %arg2[%add3A_238, %dma_start3A_239, %dma_start3A_240] : memref<12800x2x64xi32, #tpu.memory_space<hbm>> -> memref<1x2x64xi32, #tpu.memory_space<hbm>>
        %dma_start3A_242 = tpu.memref_squeeze %dma_start3A_241 : memref<1x2x64xi32, #tpu.memory_space<hbm>> -> memref<2x64xi32, #tpu.memory_space<hbm>>
        %dma_start3A_243 = arith.constant 0 : i32
        %dma_start3A_244 = arith.constant 0 : i32
        %dma_start3A_245 = tpu.memref_slice %arg2[%add3A_238, %dma_start3A_243, %dma_start3A_244] : memref<12800x2x64xi32, #tpu.memory_space<hbm>> -> memref<1x2x64xi32, #tpu.memory_space<hbm>>
        %dma_start3A_246 = tpu.memref_squeeze %dma_start3A_245 : memref<1x2x64xi32, #tpu.memory_space<hbm>> -> memref<2x64xi32, #tpu.memory_space<hbm>>
        tpu.enqueue_dma source(%dma_start3A_246 : memref<2x64xi32, #tpu.memory_space<hbm>>) target(%arg13 : memref<2x64xi32, #tpu.memory_space<vmem>>) target_semaphore(%arg21 : memref<!tpu.dma_semaphore, #tpu.memory_space<semaphore_mem>>)
      } else {
      }
      %gt3A = arith.constant 0 : i32
      %gt3A_92 = arith.cmpi sgt, %scan3A_38, %gt3A : i32
      %convert_element_type3A_93 = arith.extui %gt3A_92 : i1 to i32
      %cond3A_94 = arith.constant 0 : i32
      %cond3A_95 = arith.cmpi ne, %convert_element_type3A_93, %cond3A_94 : i32
      scf.if %cond3A_95 {
        %sub3A = arith.constant 2 : i32
        %sub3A_236 = arith.subi %mul3A_40, %sub3A : i32
        %mul3A_237 = arith.constant 64 : i32
        %mul3A_238 = arith.muli %sub3A_236, %mul3A_237 : i32
        %add3A_239 = arith.addi %mul3A_2, %mul3A_238 : i32
        %dma_wait3A_240 = arith.constant 0 : i32
        %dma_wait3A_241 = tpu.memref_slice %arg8[%add3A_239, %dma_wait3A_240] : memref<819200x128xf32, #tpu.memory_space<hbm>> -> memref<64x128xf32, #tpu.memory_space<hbm>>
        %dma_wait3A_242 = arith.constant 0 : i32
        %dma_wait3A_243 = tpu.memref_slice %arg8[%add3A_239, %dma_wait3A_242] : memref<819200x128xf32, #tpu.memory_space<hbm>> -> memref<64x128xf32, #tpu.memory_space<hbm>>
        tpu.wait_dma2 semaphore(%arg25 : memref<!tpu.dma_semaphore, #tpu.memory_space<semaphore_mem>>) src(%arg17 : memref<64x128xf32, #tpu.memory_space<vmem>>) dst(%dma_wait3A_243 : memref<64x128xf32, #tpu.memory_space<hbm>>)
      } else {
      }
      %get3A_96 = arith.constant 0 : index
      %get3A_97 = tpu.vector_load %arg11[%get3A_96] {strides = array<i32>} : memref<128xf32, #tpu.memory_space<vmem>>, vector<16xf32>,
      %get3A_98 = arith.constant 16 : index
      %get3A_99 = tpu.vector_load %arg11[%get3A_98] {strides = array<i32>} : memref<128xf32, #tpu.memory_space<vmem>>, vector<16xf32>,
      %get3A_100 = arith.constant 32 : index
      %get3A_101 = tpu.vector_load %arg11[%get3A_100] {strides = array<i32>} : memref<128xf32, #tpu.memory_space<vmem>>, vector<16xf32>,
      %get3A_102 = arith.constant 48 : index
      %get3A_103 = tpu.vector_load %arg11[%get3A_102] {strides = array<i32>} : memref<128xf32, #tpu.memory_space<vmem>>, vector<16xf32>,
      %get3A_104 = arith.constant 64 : index
      %get3A_105 = tpu.vector_load %arg11[%get3A_104] {strides = array<i32>} : memref<128xf32, #tpu.memory_space<vmem>>, vector<16xf32>,
      %get3A_106 = arith.constant 80 : index
      %get3A_107 = tpu.vector_load %arg11[%get3A_106] {strides = array<i32>} : memref<128xf32, #tpu.memory_space<vmem>>, vector<16xf32>,
      %get3A_108 = arith.constant 96 : index
      %get3A_109 = tpu.vector_load %arg11[%get3A_108] {strides = array<i32>} : memref<128xf32, #tpu.memory_space<vmem>>, vector<16xf32>,
      %get3A_110 = arith.constant 112 : index
      %get3A_111 = tpu.vector_load %arg11[%get3A_110] {strides = array<i32>} : memref<128xf32, #tpu.memory_space<vmem>>, vector<16xf32>,
      %get3A_112 = arith.constant 0 : index
      %get3A_113 = tpu.vector_load %arg12[%get3A_112] {strides = array<i32>} : memref<128xf32, #tpu.memory_space<vmem>>, vector<16xf32>,
      %get3A_114 = arith.constant 16 : index
      %get3A_115 = tpu.vector_load %arg12[%get3A_114] {strides = array<i32>} : memref<128xf32, #tpu.memory_space<vmem>>, vector<16xf32>,
      %get3A_116 = arith.constant 32 : index
      %get3A_117 = tpu.vector_load %arg12[%get3A_116] {strides = array<i32>} : memref<128xf32, #tpu.memory_space<vmem>>, vector<16xf32>,
      %get3A_118 = arith.constant 48 : index
      %get3A_119 = tpu.vector_load %arg12[%get3A_118] {strides = array<i32>} : memref<128xf32, #tpu.memory_space<vmem>>, vector<16xf32>,
      %get3A_120 = arith.constant 64 : index
      %get3A_121 = tpu.vector_load %arg12[%get3A_120] {strides = array<i32>} : memref<128xf32, #tpu.memory_space<vmem>>, vector<16xf32>,
      %get3A_122 = arith.constant 80 : index
      %get3A_123 = tpu.vector_load %arg12[%get3A_122] {strides = array<i32>} : memref<128xf32, #tpu.memory_space<vmem>>, vector<16xf32>,
      %get3A_124 = arith.constant 96 : index
      %get3A_125 = tpu.vector_load %arg12[%get3A_124] {strides = array<i32>} : memref<128xf32, #tpu.memory_space<vmem>>, vector<16xf32>,
      %get3A_126 = arith.constant 112 : index
      %get3A_127 = tpu.vector_load %arg12[%get3A_126] {strides = array<i32>} : memref<128xf32, #tpu.memory_space<vmem>>, vector<16xf32>,
      %scan3A_128 = arith.constant 0 : i32
      %scan3A_129 = arith.constant 0 : i32
      %scan3A_130 = arith.constant 4 : i32
      %scan3A_131 = arith.addi %scan3A_129, %scan3A_130 : i32
      %scan3A_132 = arith.constant 1 : i32
      scf.for %scan3A_236 = %scan3A_129 to %scan3A_131 step %scan3A_132  : i32 {
        %mul3A_237 = arith.constant 16 : i32
        %mul3A_238 = arith.muli %scan3A_236, %mul3A_237 : i32
        %add3A_239 = vector.broadcast %mul3A_238 : i32 to vector<16xi32>
        %add3A_240 = arith.addi %add3A_239, %iota3A : vector<16xi32>
        %mul3A_241 = arith.constant 64 : i32
        %mul3A_242 = arith.muli %mul3A_40, %mul3A_241 : i32
        %add3A_243 = vector.broadcast %mul3A_242 : i32 to vector<16xi32>
        %add3A_244 = arith.addi %add3A_243, %add3A_240 : vector<16xi32>
        %rem3A = arith.constant 200 : i32
        %rem3A_245 = vector.broadcast %rem3A : i32 to vector<16xi32>
        %rem3A_246 = arith.remsi %add3A_244, %rem3A_245 : vector<16xi32>
        %mul3A_247 = arith.constant 16 : i32
        %mul3A_248 = arith.muli %scan3A_236, %mul3A_247 : i32
        %get3A_249 = arith.index_cast %mul3A_248 : i32 to index
        %get3A_250 = tpu.vector_load %arg19[%get3A_249] {strides = array<i32>} : memref<64xi32, #tpu.memory_space<vmem>>, vector<16xi32>,
        %parallel_loop3A = arith.constant 0 : i32
        %parallel_loop3A_251 = arith.constant 128 : i32
        %parallel_loop3A_252 = arith.constant 1 : i32
        %parallel_loop3A_253:2 = scf.for %parallel_loop3A_303 = %parallel_loop3A to %parallel_loop3A_251 step %parallel_loop3A_252 iter_args(%parallel_loop3A_304 = %broadcast_in_dim3A_5, %parallel_loop3A_305 = %broadcast_in_dim3A_5) -> (vector<16xf32>, vector<16xf32>)  : i32 {
          %parallel_loop3A_306 = vector.broadcast %parallel_loop3A_303 : i32 to vector<16xi32>
          %parallel_loop3A_307 = arith.addi %iota3A, %parallel_loop3A_306 : vector<16xi32>
          %parallel_loop3A_308 = arith.constant 127 : i32
          %parallel_loop3A_309 = vector.broadcast %parallel_loop3A_308 : i32 to vector<16xi32>
          %parallel_loop3A_310 = arith.andi %parallel_loop3A_307, %parallel_loop3A_309 : vector<16xi32>
          %parallel_loop3A_311 = tpu.vector_load_idx %arg15[%add3A_240, %parallel_loop3A_310] : memref<64x128xf32, #tpu.memory_space<vmem>>[vector<16xi32>, vector<16xi32>], vector<16xf32>,
          %parallel_loop3A_312 = tpu.vector_load_idx %arg10[%get3A_250, %parallel_loop3A_310] : memref<512x128xf32, #tpu.memory_space<vmem>>[vector<16xi32>, vector<16xi32>], vector<16xf32>,
          %parallel_loop3A_313 = arith.addf %parallel_loop3A_311, %parallel_loop3A_312 : vector<16xf32>
          %parallel_loop3A_314 = tpu.vector_load_idx %arg9[%rem3A_246, %parallel_loop3A_310] : memref<200x128xf32, #tpu.memory_space<vmem>>[vector<16xi32>, vector<16xi32>], vector<16xf32>,
          %parallel_loop3A_315 = arith.addf %parallel_loop3A_313, %parallel_loop3A_314 : vector<16xf32>
          tpu.vector_store_idx %arg15[%add3A_240, %parallel_loop3A_310], %parallel_loop3A_315 : memref<64x128xf32, #tpu.memory_space<vmem>>[vector<16xi32>, vector<16xi32>], vector<16xf32>,
          %parallel_loop3A_316 = arith.addf %parallel_loop3A_304, %parallel_loop3A_315 : vector<16xf32>
          %parallel_loop3A_317 = arith.mulf %parallel_loop3A_315, %parallel_loop3A_315 : vector<16xf32>
          %parallel_loop3A_318 = arith.addf %parallel_loop3A_305, %parallel_loop3A_317 : vector<16xf32>
          scf.yield %parallel_loop3A_316, %parallel_loop3A_318 : vector<16xf32>, vector<16xf32>
        } {sc.loop_unroll_factor = 8 : i64, sc.parallel_access}
        %mul3A_254 = arith.constant 7.812500e-03 : f32
        %mul3A_255 = vector.broadcast %mul3A_254 : f32 to vector<16xf32>
        %mul3A_256 = arith.mulf %parallel_loop3A_253#0, %mul3A_255 : vector<16xf32>
        %mul3A_257 = arith.constant 7.812500e-03 : f32
        %mul3A_258 = vector.broadcast %mul3A_257 : f32 to vector<16xf32>
        %mul3A_259 = arith.mulf %parallel_loop3A_253#1, %mul3A_258 : vector<16xf32>
        %mul3A_260 = arith.mulf %mul3A_256, %mul3A_256 : vector<16xf32>
        %sub3A = arith.subf %mul3A_259, %mul3A_260 : vector<16xf32>
        %add3A_261 = arith.constant 9.99999996E-13 : f32
        %add3A_262 = vector.broadcast %add3A_261 : f32 to vector<16xf32>
        %add3A_263 = arith.addf %sub3A, %add3A_262 : vector<16xf32>
        %bitcast3A = vector.bitcast %add3A_263 : vector<16xf32> to vector<16xi32>
        %shift_right_logical3A = arith.constant 1 : i32
        %shift_right_logical3A_264 = vector.broadcast %shift_right_logical3A : i32 to vector<16xi32>
        %shift_right_logical3A_265 = arith.shrui %bitcast3A, %shift_right_logical3A_264 : vector<16xi32>
        %sub3A_266 = arith.constant 1597463007 : i32
        %sub3A_267 = vector.broadcast %sub3A_266 : i32 to vector<16xi32>
        %sub3A_268 = arith.subi %sub3A_267, %shift_right_logical3A_265 : vector<16xi32>
        %bitcast3A_269 = vector.bitcast %sub3A_268 : vector<16xi32> to vector<16xf32>
        %mul3A_270 = arith.constant 5.000000e-01 : f32
        %mul3A_271 = vector.broadcast %mul3A_270 : f32 to vector<16xf32>
        %mul3A_272 = arith.mulf %mul3A_271, %add3A_263 : vector<16xf32>
        %mul3A_273 = arith.mulf %mul3A_272, %bitcast3A_269 : vector<16xf32>
        %mul3A_274 = arith.mulf %mul3A_273, %bitcast3A_269 : vector<16xf32>
        %sub3A_275 = arith.constant 1.500000e+00 : f32
        %sub3A_276 = vector.broadcast %sub3A_275 : f32 to vector<16xf32>
        %sub3A_277 = arith.subf %sub3A_276, %mul3A_274 : vector<16xf32>
        %mul3A_278 = arith.mulf %bitcast3A_269, %sub3A_277 : vector<16xf32>
        %mul3A_279 = arith.constant 5.000000e-01 : f32
        %mul3A_280 = vector.broadcast %mul3A_279 : f32 to vector<16xf32>
        %mul3A_281 = arith.mulf %mul3A_280, %add3A_263 : vector<16xf32>
        %mul3A_282 = arith.mulf %mul3A_281, %mul3A_278 : vector<16xf32>
        %mul3A_283 = arith.mulf %mul3A_282, %mul3A_278 : vector<16xf32>
        %sub3A_284 = arith.constant 1.500000e+00 : f32
        %sub3A_285 = vector.broadcast %sub3A_284 : f32 to vector<16xf32>
        %sub3A_286 = arith.subf %sub3A_285, %mul3A_283 : vector<16xf32>
        %mul3A_287 = arith.mulf %mul3A_278, %sub3A_286 : vector<16xf32>
        %mul3A_288 = arith.constant 5.000000e-01 : f32
        %mul3A_289 = vector.broadcast %mul3A_288 : f32 to vector<16xf32>
        %mul3A_290 = arith.mulf %mul3A_289, %add3A_263 : vector<16xf32>
        %mul3A_291 = arith.mulf %mul3A_290, %mul3A_287 : vector<16xf32>
        %mul3A_292 = arith.mulf %mul3A_291, %mul3A_287 : vector<16xf32>
        %sub3A_293 = arith.constant 1.500000e+00 : f32
        %sub3A_294 = vector.broadcast %sub3A_293 : f32 to vector<16xf32>
        %sub3A_295 = arith.subf %sub3A_294, %mul3A_292 : vector<16xf32>
        %mul3A_296 = arith.mulf %mul3A_287, %sub3A_295 : vector<16xf32>
        %neg3A = arith.constant 0.000000e+00 : f32
        %neg3A_297 = vector.broadcast %neg3A : f32 to vector<16xf32>
        %neg3A_298 = arith.subf %neg3A_297, %mul3A_256 : vector<16xf32>
        %mul3A_299 = arith.mulf %neg3A_298, %mul3A_296 : vector<16xf32>
        %parallel_loop3A_300 = arith.constant 0 : i32
        %parallel_loop3A_301 = arith.constant 16 : i32
        %parallel_loop3A_302 = arith.constant 1 : i32
        scf.for %parallel_loop3A_303 = %parallel_loop3A_300 to %parallel_loop3A_301 step %parallel_loop3A_302  : i32 {
          %parallel_loop3A_304 = arith.constant 16 : i32
          %parallel_loop3A_305 = arith.muli %scan3A_236, %parallel_loop3A_304 : i32
          %parallel_loop3A_306 = arith.addi %parallel_loop3A_305, %parallel_loop3A_303 : i32
          %parallel_loop3A_307 = vector.broadcast %parallel_loop3A_303 : i32 to vector<16xi32>
          %parallel_loop3A_308 = arith.constant 0 : i32
          %parallel_loop3A_309 = vector.broadcast %parallel_loop3A_308 : i32 to vector<16xi32>
          %parallel_loop3A_310 = arith.cmpi slt, %parallel_loop3A_307, %parallel_loop3A_309 : vector<16xi32>
          %parallel_loop3A_311 = arith.constant 16 : i32
          %parallel_loop3A_312 = vector.broadcast %parallel_loop3A_311 : i32 to vector<16xi32>
          %parallel_loop3A_313 = arith.addi %parallel_loop3A_307, %parallel_loop3A_312 : vector<16xi32>
          %parallel_loop3A_314 = arith.select %parallel_loop3A_310, %parallel_loop3A_313, %parallel_loop3A_307 : vector<16xi1>, vector<16xi32>
          %parallel_loop3A_315 = vector.shape_cast %parallel_loop3A_314 : vector<16xi32> to vector<16x1xi32>
          %parallel_loop3A_316 = vector.shape_cast %parallel_loop3A_315 : vector<16x1xi32> to vector<16xi32>
          %parallel_loop3A_317 = tpu.dynamic_gather %mul3A_296[%parallel_loop3A_316] in [0] : vector<16xf32>, vector<16xi32> -> vector<16xf32>
          %parallel_loop3A_318 = vector.broadcast %parallel_loop3A_303 : i32 to vector<16xi32>
          %parallel_loop3A_319 = arith.constant 0 : i32
          %parallel_loop3A_320 = vector.broadcast %parallel_loop3A_319 : i32 to vector<16xi32>
          %parallel_loop3A_321 = arith.cmpi slt, %parallel_loop3A_318, %parallel_loop3A_320 : vector<16xi32>
          %parallel_loop3A_322 = arith.constant 16 : i32
          %parallel_loop3A_323 = vector.broadcast %parallel_loop3A_322 : i32 to vector<16xi32>
          %parallel_loop3A_324 = arith.addi %parallel_loop3A_318, %parallel_loop3A_323 : vector<16xi32>
          %parallel_loop3A_325 = arith.select %parallel_loop3A_321, %parallel_loop3A_324, %parallel_loop3A_318 : vector<16xi1>, vector<16xi32>
          %parallel_loop3A_326 = vector.shape_cast %parallel_loop3A_325 : vector<16xi32> to vector<16x1xi32>
          %parallel_loop3A_327 = vector.shape_cast %parallel_loop3A_326 : vector<16x1xi32> to vector<16xi32>
          %parallel_loop3A_328 = tpu.dynamic_gather %mul3A_299[%parallel_loop3A_327] in [0] : vector<16xf32>, vector<16xi32> -> vector<16xf32>
          %parallel_loop3A_329 = arith.index_cast %parallel_loop3A_306 : i32 to index
          %parallel_loop3A_330 = arith.constant 0 : index
          %parallel_loop3A_331 = tpu.vector_load %arg15[%parallel_loop3A_329, %parallel_loop3A_330] {strides = array<i32>} : memref<64x128xf32, #tpu.memory_space<vmem>>, vector<16xf32>,
          %parallel_loop3A_332 = arith.mulf %parallel_loop3A_331, %parallel_loop3A_317 : vector<16xf32>
          %parallel_loop3A_333 = arith.addf %parallel_loop3A_332, %parallel_loop3A_328 : vector<16xf32>
          %parallel_loop3A_334 = arith.mulf %parallel_loop3A_333, %get3A_97 : vector<16xf32>
          %parallel_loop3A_335 = arith.addf %parallel_loop3A_334, %get3A_113 : vector<16xf32>
          %parallel_loop3A_336 = arith.index_cast %parallel_loop3A_306 : i32 to index
          %parallel_loop3A_337 = arith.constant 0 : index
          %parallel_loop3A_338 = tpu.vector_load %arg17[%parallel_loop3A_336, %parallel_loop3A_337] {strides = array<i32>} : memref<64x128xf32, #tpu.memory_space<vmem>>, vector<16xf32>,
          tpu.vector_store %arg17[%parallel_loop3A_336, %parallel_loop3A_337], %parallel_loop3A_335 {strides = array<i32>} : memref<64x128xf32, #tpu.memory_space<vmem>>, vector<16xf32>,
          %parallel_loop3A_339 = arith.index_cast %parallel_loop3A_306 : i32 to index
          %parallel_loop3A_340 = arith.constant 16 : index
          %parallel_loop3A_341 = tpu.vector_load %arg15[%parallel_loop3A_339, %parallel_loop3A_340] {strides = array<i32>} : memref<64x128xf32, #tpu.memory_space<vmem>>, vector<16xf32>,
          %parallel_loop3A_342 = arith.mulf %parallel_loop3A_341, %parallel_loop3A_317 : vector<16xf32>
          %parallel_loop3A_343 = arith.addf %parallel_loop3A_342, %parallel_loop3A_328 : vector<16xf32>
          %parallel_loop3A_344 = arith.mulf %parallel_loop3A_343, %get3A_99 : vector<16xf32>
          %parallel_loop3A_345 = arith.addf %parallel_loop3A_344, %get3A_115 : vector<16xf32>
          %parallel_loop3A_346 = arith.index_cast %parallel_loop3A_306 : i32 to index
          %parallel_loop3A_347 = arith.constant 16 : index
          %parallel_loop3A_348 = tpu.vector_load %arg17[%parallel_loop3A_346, %parallel_loop3A_347] {strides = array<i32>} : memref<64x128xf32, #tpu.memory_space<vmem>>, vector<16xf32>,
          tpu.vector_store %arg17[%parallel_loop3A_346, %parallel_loop3A_347], %parallel_loop3A_345 {strides = array<i32>} : memref<64x128xf32, #tpu.memory_space<vmem>>, vector<16xf32>,
          %parallel_loop3A_349 = arith.index_cast %parallel_loop3A_306 : i32 to index
          %parallel_loop3A_350 = arith.constant 32 : index
          %parallel_loop3A_351 = tpu.vector_load %arg15[%parallel_loop3A_349, %parallel_loop3A_350] {strides = array<i32>} : memref<64x128xf32, #tpu.memory_space<vmem>>, vector<16xf32>,
          %parallel_loop3A_352 = arith.mulf %parallel_loop3A_351, %parallel_loop3A_317 : vector<16xf32>
          %parallel_loop3A_353 = arith.addf %parallel_loop3A_352, %parallel_loop3A_328 : vector<16xf32>
          %parallel_loop3A_354 = arith.mulf %parallel_loop3A_353, %get3A_101 : vector<16xf32>
          %parallel_loop3A_355 = arith.addf %parallel_loop3A_354, %get3A_117 : vector<16xf32>
          %parallel_loop3A_356 = arith.index_cast %parallel_loop3A_306 : i32 to index
          %parallel_loop3A_357 = arith.constant 32 : index
          %parallel_loop3A_358 = tpu.vector_load %arg17[%parallel_loop3A_356, %parallel_loop3A_357] {strides = array<i32>} : memref<64x128xf32, #tpu.memory_space<vmem>>, vector<16xf32>,
          tpu.vector_store %arg17[%parallel_loop3A_356, %parallel_loop3A_357], %parallel_loop3A_355 {strides = array<i32>} : memref<64x128xf32, #tpu.memory_space<vmem>>, vector<16xf32>,
          %parallel_loop3A_359 = arith.index_cast %parallel_loop3A_306 : i32 to index
          %parallel_loop3A_360 = arith.constant 48 : index
          %parallel_loop3A_361 = tpu.vector_load %arg15[%parallel_loop3A_359, %parallel_loop3A_360] {strides = array<i32>} : memref<64x128xf32, #tpu.memory_space<vmem>>, vector<16xf32>,
          %parallel_loop3A_362 = arith.mulf %parallel_loop3A_361, %parallel_loop3A_317 : vector<16xf32>
          %parallel_loop3A_363 = arith.addf %parallel_loop3A_362, %parallel_loop3A_328 : vector<16xf32>
          %parallel_loop3A_364 = arith.mulf %parallel_loop3A_363, %get3A_103 : vector<16xf32>
          %parallel_loop3A_365 = arith.addf %parallel_loop3A_364, %get3A_119 : vector<16xf32>
          %parallel_loop3A_366 = arith.index_cast %parallel_loop3A_306 : i32 to index
          %parallel_loop3A_367 = arith.constant 48 : index
          %parallel_loop3A_368 = tpu.vector_load %arg17[%parallel_loop3A_366, %parallel_loop3A_367] {strides = array<i32>} : memref<64x128xf32, #tpu.memory_space<vmem>>, vector<16xf32>,
          tpu.vector_store %arg17[%parallel_loop3A_366, %parallel_loop3A_367], %parallel_loop3A_365 {strides = array<i32>} : memref<64x128xf32, #tpu.memory_space<vmem>>, vector<16xf32>,
          %parallel_loop3A_369 = arith.index_cast %parallel_loop3A_306 : i32 to index
          %parallel_loop3A_370 = arith.constant 64 : index
          %parallel_loop3A_371 = tpu.vector_load %arg15[%parallel_loop3A_369, %parallel_loop3A_370] {strides = array<i32>} : memref<64x128xf32, #tpu.memory_space<vmem>>, vector<16xf32>,
          %parallel_loop3A_372 = arith.mulf %parallel_loop3A_371, %parallel_loop3A_317 : vector<16xf32>
          %parallel_loop3A_373 = arith.addf %parallel_loop3A_372, %parallel_loop3A_328 : vector<16xf32>
          %parallel_loop3A_374 = arith.mulf %parallel_loop3A_373, %get3A_105 : vector<16xf32>
          %parallel_loop3A_375 = arith.addf %parallel_loop3A_374, %get3A_121 : vector<16xf32>
          %parallel_loop3A_376 = arith.index_cast %parallel_loop3A_306 : i32 to index
          %parallel_loop3A_377 = arith.constant 64 : index
          %parallel_loop3A_378 = tpu.vector_load %arg17[%parallel_loop3A_376, %parallel_loop3A_377] {strides = array<i32>} : memref<64x128xf32, #tpu.memory_space<vmem>>, vector<16xf32>,
          tpu.vector_store %arg17[%parallel_loop3A_376, %parallel_loop3A_377], %parallel_loop3A_375 {strides = array<i32>} : memref<64x128xf32, #tpu.memory_space<vmem>>, vector<16xf32>,
          %parallel_loop3A_379 = arith.index_cast %parallel_loop3A_306 : i32 to index
          %parallel_loop3A_380 = arith.constant 80 : index
          %parallel_loop3A_381 = tpu.vector_load %arg15[%parallel_loop3A_379, %parallel_loop3A_380] {strides = array<i32>} : memref<64x128xf32, #tpu.memory_space<vmem>>, vector<16xf32>,
          %parallel_loop3A_382 = arith.mulf %parallel_loop3A_381, %parallel_loop3A_317 : vector<16xf32>
          %parallel_loop3A_383 = arith.addf %parallel_loop3A_382, %parallel_loop3A_328 : vector<16xf32>
          %parallel_loop3A_384 = arith.mulf %parallel_loop3A_383, %get3A_107 : vector<16xf32>
          %parallel_loop3A_385 = arith.addf %parallel_loop3A_384, %get3A_123 : vector<16xf32>
          %parallel_loop3A_386 = arith.index_cast %parallel_loop3A_306 : i32 to index
          %parallel_loop3A_387 = arith.constant 80 : index
          %parallel_loop3A_388 = tpu.vector_load %arg17[%parallel_loop3A_386, %parallel_loop3A_387] {strides = array<i32>} : memref<64x128xf32, #tpu.memory_space<vmem>>, vector<16xf32>,
          tpu.vector_store %arg17[%parallel_loop3A_386, %parallel_loop3A_387], %parallel_loop3A_385 {strides = array<i32>} : memref<64x128xf32, #tpu.memory_space<vmem>>, vector<16xf32>,
          %parallel_loop3A_389 = arith.index_cast %parallel_loop3A_306 : i32 to index
          %parallel_loop3A_390 = arith.constant 96 : index
          %parallel_loop3A_391 = tpu.vector_load %arg15[%parallel_loop3A_389, %parallel_loop3A_390] {strides = array<i32>} : memref<64x128xf32, #tpu.memory_space<vmem>>, vector<16xf32>,
          %parallel_loop3A_392 = arith.mulf %parallel_loop3A_391, %parallel_loop3A_317 : vector<16xf32>
          %parallel_loop3A_393 = arith.addf %parallel_loop3A_392, %parallel_loop3A_328 : vector<16xf32>
          %parallel_loop3A_394 = arith.mulf %parallel_loop3A_393, %get3A_109 : vector<16xf32>
          %parallel_loop3A_395 = arith.addf %parallel_loop3A_394, %get3A_125 : vector<16xf32>
          %parallel_loop3A_396 = arith.index_cast %parallel_loop3A_306 : i32 to index
          %parallel_loop3A_397 = arith.constant 96 : index
          %parallel_loop3A_398 = tpu.vector_load %arg17[%parallel_loop3A_396, %parallel_loop3A_397] {strides = array<i32>} : memref<64x128xf32, #tpu.memory_space<vmem>>, vector<16xf32>,
          tpu.vector_store %arg17[%parallel_loop3A_396, %parallel_loop3A_397], %parallel_loop3A_395 {strides = array<i32>} : memref<64x128xf32, #tpu.memory_space<vmem>>, vector<16xf32>,
          %parallel_loop3A_399 = arith.index_cast %parallel_loop3A_306 : i32 to index
          %parallel_loop3A_400 = arith.constant 112 : index
          %parallel_loop3A_401 = tpu.vector_load %arg15[%parallel_loop3A_399, %parallel_loop3A_400] {strides = array<i32>} : memref<64x128xf32, #tpu.memory_space<vmem>>, vector<16xf32>,
          %parallel_loop3A_402 = arith.mulf %parallel_loop3A_401, %parallel_loop3A_317 : vector<16xf32>
          %parallel_loop3A_403 = arith.addf %parallel_loop3A_402, %parallel_loop3A_328 : vector<16xf32>
          %parallel_loop3A_404 = arith.mulf %parallel_loop3A_403, %get3A_111 : vector<16xf32>
          %parallel_loop3A_405 = arith.addf %parallel_loop3A_404, %get3A_127 : vector<16xf32>
          %parallel_loop3A_406 = arith.index_cast %parallel_loop3A_306 : i32 to index
          %parallel_loop3A_407 = arith.constant 112 : index
          %parallel_loop3A_408 = tpu.vector_load %arg17[%parallel_loop3A_406, %parallel_loop3A_407] {strides = array<i32>} : memref<64x128xf32, #tpu.memory_space<vmem>>, vector<16xf32>,
          tpu.vector_store %arg17[%parallel_loop3A_406, %parallel_loop3A_407], %parallel_loop3A_405 {strides = array<i32>} : memref<64x128xf32, #tpu.memory_space<vmem>>, vector<16xf32>,
        } {sc.loop_unroll_factor = 4 : i64, sc.parallel_access}
      }
      %scan3A_133 = arith.constant 4 : i32
      %mul3A_134 = arith.constant 64 : i32
      %mul3A_135 = arith.muli %mul3A_40, %mul3A_134 : i32
      %add3A_136 = arith.addi %mul3A_2, %mul3A_135 : i32
      %dma_start3A_137 = arith.constant 0 : i32
      %dma_start3A_138 = tpu.memref_slice %arg8[%add3A_136, %dma_start3A_137] : memref<819200x128xf32, #tpu.memory_space<hbm>> -> memref<64x128xf32, #tpu.memory_space<hbm>>
      %dma_start3A_139 = arith.constant 0 : i32
      %dma_start3A_140 = tpu.memref_slice %arg8[%add3A_136, %dma_start3A_139] : memref<819200x128xf32, #tpu.memory_space<hbm>> -> memref<64x128xf32, #tpu.memory_space<hbm>>
      tpu.enqueue_dma source(%arg17 : memref<64x128xf32, #tpu.memory_space<vmem>>) target(%dma_start3A_140 : memref<64x128xf32, #tpu.memory_space<hbm>>) target_semaphore(%arg25 : memref<!tpu.dma_semaphore, #tpu.memory_space<semaphore_mem>>)
      %add3A_141 = arith.constant 2 : i32
      %add3A_142 = arith.addi %mul3A_40, %add3A_141 : i32
      %lt3A_143 = arith.constant 400 : i32
      %lt3A_144 = arith.cmpi slt, %add3A_142, %lt3A_143 : i32
      %convert_element_type3A_145 = arith.extui %lt3A_144 : i1 to i32
      %cond3A_146 = arith.constant 0 : i32
      %cond3A_147 = arith.cmpi ne, %convert_element_type3A_145, %cond3A_146 : i32
      scf.if %cond3A_147 {
        %add3A_236 = arith.constant 2 : i32
        %add3A_237 = arith.addi %mul3A_40, %add3A_236 : i32
        %add3A_238 = arith.addi %mul3A_4, %add3A_237 : i32
        %dma_wait3A_239 = arith.constant 0 : i32
        %dma_wait3A_240 = arith.constant 0 : i32
        %dma_wait3A_241 = tpu.memref_slice %arg2[%add3A_238, %dma_wait3A_239, %dma_wait3A_240] : memref<12800x2x64xi32, #tpu.memory_space<hbm>> -> memref<1x2x64xi32, #tpu.memory_space<hbm>>
        %dma_wait3A_242 = tpu.memref_squeeze %dma_wait3A_241 : memref<1x2x64xi32, #tpu.memory_space<hbm>> -> memref<2x64xi32, #tpu.memory_space<hbm>>
        %dma_wait3A_243 = arith.constant 0 : i32
        %dma_wait3A_244 = arith.constant 0 : i32
        %dma_wait3A_245 = tpu.memref_slice %arg2[%add3A_238, %dma_wait3A_243, %dma_wait3A_244] : memref<12800x2x64xi32, #tpu.memory_space<hbm>> -> memref<1x2x64xi32, #tpu.memory_space<hbm>>
        %dma_wait3A_246 = tpu.memref_squeeze %dma_wait3A_245 : memref<1x2x64xi32, #tpu.memory_space<hbm>> -> memref<2x64xi32, #tpu.memory_space<hbm>>
        tpu.wait_dma2 semaphore(%arg21 : memref<!tpu.dma_semaphore, #tpu.memory_space<semaphore_mem>>) src(%dma_wait3A_246 : memref<2x64xi32, #tpu.memory_space<hbm>>) dst(%arg13 : memref<2x64xi32, #tpu.memory_space<vmem>>)
        %dma_start3A_247 = arith.constant 0 : i32
        %dma_start3A_248 = arith.constant 0 : i32
        %dma_start3A_249 = tpu.memref_slice %arg13[%dma_start3A_247, %dma_start3A_248] : memref<2x64xi32, #tpu.memory_space<vmem>> -> memref<1x64xi32, #tpu.memory_space<vmem>>
        %dma_start3A_250 = tpu.memref_squeeze %dma_start3A_249 : memref<1x64xi32, #tpu.memory_space<vmem>> -> memref<64xi32, #tpu.memory_space<vmem>>
        %dma_start3A_251 = arith.constant 0 : i32
        %dma_start3A_252 = arith.constant 0 : i32
        %dma_start3A_253 = tpu.memref_slice %arg3[%dma_start3A_251, %dma_start3A_252] : memref<200000x128xf32, #tpu.memory_space<hbm>> -> memref<200000x128xf32, #tpu.memory_space<hbm>>
        tpu.enqueue_indirect_dma source(%dma_start3A_253 : memref<200000x128xf32, #tpu.memory_space<hbm>>) target(%arg15 : memref<64x128xf32, #tpu.memory_space<vmem>>) offsets(%dma_start3A_250 : memref<64xi32, #tpu.memory_space<vmem>>) semaphore(%arg23 : memref<!tpu.dma_semaphore, #tpu.memory_space<semaphore_mem>>)
      } else {
      }
      %dma_wait3A_148 = arith.constant 0 : i32
      %dma_wait3A_149 = arith.constant 0 : i32
      %dma_wait3A_150 = tpu.memref_slice %arg14[%dma_wait3A_148, %dma_wait3A_149] : memref<2x64xi32, #tpu.memory_space<vmem>> -> memref<1x64xi32, #tpu.memory_space<vmem>>
      %dma_wait3A_151 = tpu.memref_squeeze %dma_wait3A_150 : memref<1x64xi32, #tpu.memory_space<vmem>> -> memref<64xi32, #tpu.memory_space<vmem>>
      %dma_wait3A_152 = arith.constant 0 : i32
      %dma_wait3A_153 = arith.constant 0 : i32
      %dma_wait3A_154 = tpu.memref_slice %arg3[%dma_wait3A_152, %dma_wait3A_153] : memref<200000x128xf32, #tpu.memory_space<hbm>> -> memref<200000x128xf32, #tpu.memory_space<hbm>>
      tpu.wait_indirect_dma semaphore(%arg24 : memref<!tpu.dma_semaphore, #tpu.memory_space<semaphore_mem>>) src(%dma_wait3A_154 : memref<200000x128xf32, #tpu.memory_space<hbm>>) dst(%arg16 : memref<64x128xf32, #tpu.memory_space<vmem>>)
      %get3A_155 = arith.constant 1 : i32
      %get3A_156 = arith.index_cast %get3A_155 : i32 to index
      %get3A_157 = arith.constant 0 : index
      %get3A_158 = tpu.vector_load %arg14[%get3A_156, %get3A_157] {strides = array<i32>} : memref<2x64xi32, #tpu.memory_space<vmem>>, vector<16xi32>,
      %swap3A_159 = arith.constant 0 : index
      %swap3A_160 = tpu.vector_load %arg20[%swap3A_159] {strides = array<i32>} : memref<64xi32, #tpu.memory_space<vmem>>, vector<16xi32>,
      tpu.vector_store %arg20[%swap3A_159], %get3A_158 {strides = array<i32>} : memref<64xi32, #tpu.memory_space<vmem>>, vector<16xi32>,
      %get3A_161 = arith.constant 1 : i32
      %get3A_162 = arith.index_cast %get3A_161 : i32 to index
      %get3A_163 = arith.constant 16 : index
      %get3A_164 = tpu.vector_load %arg14[%get3A_162, %get3A_163] {strides = array<i32>} : memref<2x64xi32, #tpu.memory_space<vmem>>, vector<16xi32>,
      %swap3A_165 = arith.constant 16 : index
      %swap3A_166 = tpu.vector_load %arg20[%swap3A_165] {strides = array<i32>} : memref<64xi32, #tpu.memory_space<vmem>>, vector<16xi32>,
      tpu.vector_store %arg20[%swap3A_165], %get3A_164 {strides = array<i32>} : memref<64xi32, #tpu.memory_space<vmem>>, vector<16xi32>,
      %get3A_167 = arith.constant 1 : i32
      %get3A_168 = arith.index_cast %get3A_167 : i32 to index
      %get3A_169 = arith.constant 32 : index
      %get3A_170 = tpu.vector_load %arg14[%get3A_168, %get3A_169] {strides = array<i32>} : memref<2x64xi32, #tpu.memory_space<vmem>>, vector<16xi32>,
      %swap3A_171 = arith.constant 32 : index
      %swap3A_172 = tpu.vector_load %arg20[%swap3A_171] {strides = array<i32>} : memref<64xi32, #tpu.memory_space<vmem>>, vector<16xi32>,
      tpu.vector_store %arg20[%swap3A_171], %get3A_170 {strides = array<i32>} : memref<64xi32, #tpu.memory_space<vmem>>, vector<16xi32>,
      %get3A_173 = arith.constant 1 : i32
      %get3A_174 = arith.index_cast %get3A_173 : i32 to index
      %get3A_175 = arith.constant 48 : index
      %get3A_176 = tpu.vector_load %arg14[%get3A_174, %get3A_175] {strides = array<i32>} : memref<2x64xi32, #tpu.memory_space<vmem>>, vector<16xi32>,
      %swap3A_177 = arith.constant 48 : index
      %swap3A_178 = tpu.vector_load %arg20[%swap3A_177] {strides = array<i32>} : memref<64xi32, #tpu.memory_space<vmem>>, vector<16xi32>,
      tpu.vector_store %arg20[%swap3A_177], %get3A_176 {strides = array<i32>} : memref<64xi32, #tpu.memory_space<vmem>>, vector<16xi32>,
      %add3A_179 = arith.constant 2 : i32
      %add3A_180 = arith.addi %add3A_42, %add3A_179 : i32
      %lt3A_181 = arith.constant 400 : i32
      %lt3A_182 = arith.cmpi slt, %add3A_180, %lt3A_181 : i32
      %convert_element_type3A_183 = arith.extui %lt3A_182 : i1 to i32
      %cond3A_184 = arith.constant 0 : i32
      %cond3A_185 = arith.cmpi ne, %convert_element_type3A_183, %cond3A_184 : i32
      scf.if %cond3A_185 {
        %add3A_236 = arith.constant 2 : i32
        %add3A_237 = arith.addi %add3A_42, %add3A_236 : i32
        %add3A_238 = arith.addi %mul3A_4, %add3A_237 : i32
        %dma_start3A_239 = arith.constant 0 : i32
        %dma_start3A_240 = arith.constant 0 : i32
        %dma_start3A_241 = tpu.memref_slice %arg2[%add3A_238, %dma_start3A_239, %dma_start3A_240] : memref<12800x2x64xi32, #tpu.memory_space<hbm>> -> memref<1x2x64xi32, #tpu.memory_space<hbm>>
        %dma_start3A_242 = tpu.memref_squeeze %dma_start3A_241 : memref<1x2x64xi32, #tpu.memory_space<hbm>> -> memref<2x64xi32, #tpu.memory_space<hbm>>
        %dma_start3A_243 = arith.constant 0 : i32
        %dma_start3A_244 = arith.constant 0 : i32
        %dma_start3A_245 = tpu.memref_slice %arg2[%add3A_238, %dma_start3A_243, %dma_start3A_244] : memref<12800x2x64xi32, #tpu.memory_space<hbm>> -> memref<1x2x64xi32, #tpu.memory_space<hbm>>
        %dma_start3A_246 = tpu.memref_squeeze %dma_start3A_245 : memref<1x2x64xi32, #tpu.memory_space<hbm>> -> memref<2x64xi32, #tpu.memory_space<hbm>>
        tpu.enqueue_dma source(%dma_start3A_246 : memref<2x64xi32, #tpu.memory_space<hbm>>) target(%arg14 : memref<2x64xi32, #tpu.memory_space<vmem>>) target_semaphore(%arg22 : memref<!tpu.dma_semaphore, #tpu.memory_space<semaphore_mem>>)
      } else {
      }
      %gt3A_186 = arith.constant 0 : i32
      %gt3A_187 = arith.cmpi sgt, %scan3A_38, %gt3A_186 : i32
      %convert_element_type3A_188 = arith.extui %gt3A_187 : i1 to i32
      %cond3A_189 = arith.constant 0 : i32
      %cond3A_190 = arith.cmpi ne, %convert_element_type3A_188, %cond3A_189 : i32
      scf.if %cond3A_190 {
        %sub3A = arith.constant 2 : i32
        %sub3A_236 = arith.subi %add3A_42, %sub3A : i32
        %mul3A_237 = arith.constant 64 : i32
        %mul3A_238 = arith.muli %sub3A_236, %mul3A_237 : i32
        %add3A_239 = arith.addi %mul3A_2, %mul3A_238 : i32
        %dma_wait3A_240 = arith.constant 0 : i32
        %dma_wait3A_241 = tpu.memref_slice %arg8[%add3A_239, %dma_wait3A_240] : memref<819200x128xf32, #tpu.memory_space<hbm>> -> memref<64x128xf32, #tpu.memory_space<hbm>>
        %dma_wait3A_242 = arith.constant 0 : i32
        %dma_wait3A_243 = tpu.memref_slice %arg8[%add3A_239, %dma_wait3A_242] : memref<819200x128xf32, #tpu.memory_space<hbm>> -> memref<64x128xf32, #tpu.memory_space<hbm>>
        tpu.wait_dma2 semaphore(%arg26 : memref<!tpu.dma_semaphore, #tpu.memory_space<semaphore_mem>>) src(%arg18 : memref<64x128xf32, #tpu.memory_space<vmem>>) dst(%dma_wait3A_243 : memref<64x128xf32, #tpu.memory_space<hbm>>)
      } else {
      }
      %get3A_191 = arith.constant 0 : index
      %get3A_192 = tpu.vector_load %arg11[%get3A_191] {strides = array<i32>} : memref<128xf32, #tpu.memory_space<vmem>>, vector<16xf32>,
      %get3A_193 = arith.constant 16 : index
      %get3A_194 = tpu.vector_load %arg11[%get3A_193] {strides = array<i32>} : memref<128xf32, #tpu.memory_space<vmem>>, vector<16xf32>,
      %get3A_195 = arith.constant 32 : index
      %get3A_196 = tpu.vector_load %arg11[%get3A_195] {strides = array<i32>} : memref<128xf32, #tpu.memory_space<vmem>>, vector<16xf32>,
      %get3A_197 = arith.constant 48 : index
      %get3A_198 = tpu.vector_load %arg11[%get3A_197] {strides = array<i32>} : memref<128xf32, #tpu.memory_space<vmem>>, vector<16xf32>,
      %get3A_199 = arith.constant 64 : index
      %get3A_200 = tpu.vector_load %arg11[%get3A_199] {strides = array<i32>} : memref<128xf32, #tpu.memory_space<vmem>>, vector<16xf32>,
      %get3A_201 = arith.constant 80 : index
      %get3A_202 = tpu.vector_load %arg11[%get3A_201] {strides = array<i32>} : memref<128xf32, #tpu.memory_space<vmem>>, vector<16xf32>,
      %get3A_203 = arith.constant 96 : index
      %get3A_204 = tpu.vector_load %arg11[%get3A_203] {strides = array<i32>} : memref<128xf32, #tpu.memory_space<vmem>>, vector<16xf32>,
      %get3A_205 = arith.constant 112 : index
      %get3A_206 = tpu.vector_load %arg11[%get3A_205] {strides = array<i32>} : memref<128xf32, #tpu.memory_space<vmem>>, vector<16xf32>,
      %get3A_207 = arith.constant 0 : index
      %get3A_208 = tpu.vector_load %arg12[%get3A_207] {strides = array<i32>} : memref<128xf32, #tpu.memory_space<vmem>>, vector<16xf32>,
      %get3A_209 = arith.constant 16 : index
      %get3A_210 = tpu.vector_load %arg12[%get3A_209] {strides = array<i32>} : memref<128xf32, #tpu.memory_space<vmem>>, vector<16xf32>,
      %get3A_211 = arith.constant 32 : index
      %get3A_212 = tpu.vector_load %arg12[%get3A_211] {strides = array<i32>} : memref<128xf32, #tpu.memory_space<vmem>>, vector<16xf32>,
      %get3A_213 = arith.constant 48 : index
      %get3A_214 = tpu.vector_load %arg12[%get3A_213] {strides = array<i32>} : memref<128xf32, #tpu.memory_space<vmem>>, vector<16xf32>,
      %get3A_215 = arith.constant 64 : index
      %get3A_216 = tpu.vector_load %arg12[%get3A_215] {strides = array<i32>} : memref<128xf32, #tpu.memory_space<vmem>>, vector<16xf32>,
      %get3A_217 = arith.constant 80 : index
      %get3A_218 = tpu.vector_load %arg12[%get3A_217] {strides = array<i32>} : memref<128xf32, #tpu.memory_space<vmem>>, vector<16xf32>,
      %get3A_219 = arith.constant 96 : index
      %get3A_220 = tpu.vector_load %arg12[%get3A_219] {strides = array<i32>} : memref<128xf32, #tpu.memory_space<vmem>>, vector<16xf32>,
      %get3A_221 = arith.constant 112 : index
      %get3A_222 = tpu.vector_load %arg12[%get3A_221] {strides = array<i32>} : memref<128xf32, #tpu.memory_space<vmem>>, vector<16xf32>,
      %scan3A_223 = arith.constant 0 : i32
      %scan3A_224 = arith.constant 0 : i32
      %scan3A_225 = arith.constant 4 : i32
      %scan3A_226 = arith.addi %scan3A_224, %scan3A_225 : i32
      %scan3A_227 = arith.constant 1 : i32
      scf.for %scan3A_236 = %scan3A_224 to %scan3A_226 step %scan3A_227  : i32 {
        %mul3A_237 = arith.constant 16 : i32
        %mul3A_238 = arith.muli %scan3A_236, %mul3A_237 : i32
        %add3A_239 = vector.broadcast %mul3A_238 : i32 to vector<16xi32>
        %add3A_240 = arith.addi %add3A_239, %iota3A : vector<16xi32>
        %mul3A_241 = arith.constant 64 : i32
        %mul3A_242 = arith.muli %add3A_42, %mul3A_241 : i32
        %add3A_243 = vector.broadcast %mul3A_242 : i32 to vector<16xi32>
        %add3A_244 = arith.addi %add3A_243, %add3A_240 : vector<16xi32>
        %rem3A = arith.constant 200 : i32
        %rem3A_245 = vector.broadcast %rem3A : i32 to vector<16xi32>
        %rem3A_246 = arith.remsi %add3A_244, %rem3A_245 : vector<16xi32>
        %mul3A_247 = arith.constant 16 : i32
        %mul3A_248 = arith.muli %scan3A_236, %mul3A_247 : i32
        %get3A_249 = arith.index_cast %mul3A_248 : i32 to index
        %get3A_250 = tpu.vector_load %arg20[%get3A_249] {strides = array<i32>} : memref<64xi32, #tpu.memory_space<vmem>>, vector<16xi32>,
        %parallel_loop3A = arith.constant 0 : i32
        %parallel_loop3A_251 = arith.constant 128 : i32
        %parallel_loop3A_252 = arith.constant 1 : i32
        %parallel_loop3A_253:2 = scf.for %parallel_loop3A_303 = %parallel_loop3A to %parallel_loop3A_251 step %parallel_loop3A_252 iter_args(%parallel_loop3A_304 = %broadcast_in_dim3A_5, %parallel_loop3A_305 = %broadcast_in_dim3A_5) -> (vector<16xf32>, vector<16xf32>)  : i32 {
          %parallel_loop3A_306 = vector.broadcast %parallel_loop3A_303 : i32 to vector<16xi32>
          %parallel_loop3A_307 = arith.addi %iota3A, %parallel_loop3A_306 : vector<16xi32>
          %parallel_loop3A_308 = arith.constant 127 : i32
          %parallel_loop3A_309 = vector.broadcast %parallel_loop3A_308 : i32 to vector<16xi32>
          %parallel_loop3A_310 = arith.andi %parallel_loop3A_307, %parallel_loop3A_309 : vector<16xi32>
          %parallel_loop3A_311 = tpu.vector_load_idx %arg16[%add3A_240, %parallel_loop3A_310] : memref<64x128xf32, #tpu.memory_space<vmem>>[vector<16xi32>, vector<16xi32>], vector<16xf32>,
          %parallel_loop3A_312 = tpu.vector_load_idx %arg10[%get3A_250, %parallel_loop3A_310] : memref<512x128xf32, #tpu.memory_space<vmem>>[vector<16xi32>, vector<16xi32>], vector<16xf32>,
          %parallel_loop3A_313 = arith.addf %parallel_loop3A_311, %parallel_loop3A_312 : vector<16xf32>
          %parallel_loop3A_314 = tpu.vector_load_idx %arg9[%rem3A_246, %parallel_loop3A_310] : memref<200x128xf32, #tpu.memory_space<vmem>>[vector<16xi32>, vector<16xi32>], vector<16xf32>,
          %parallel_loop3A_315 = arith.addf %parallel_loop3A_313, %parallel_loop3A_314 : vector<16xf32>
          tpu.vector_store_idx %arg16[%add3A_240, %parallel_loop3A_310], %parallel_loop3A_315 : memref<64x128xf32, #tpu.memory_space<vmem>>[vector<16xi32>, vector<16xi32>], vector<16xf32>,
          %parallel_loop3A_316 = arith.addf %parallel_loop3A_304, %parallel_loop3A_315 : vector<16xf32>
          %parallel_loop3A_317 = arith.mulf %parallel_loop3A_315, %parallel_loop3A_315 : vector<16xf32>
          %parallel_loop3A_318 = arith.addf %parallel_loop3A_305, %parallel_loop3A_317 : vector<16xf32>
          scf.yield %parallel_loop3A_316, %parallel_loop3A_318 : vector<16xf32>, vector<16xf32>
        } {sc.loop_unroll_factor = 8 : i64, sc.parallel_access}
        %mul3A_254 = arith.constant 7.812500e-03 : f32
        %mul3A_255 = vector.broadcast %mul3A_254 : f32 to vector<16xf32>
        %mul3A_256 = arith.mulf %parallel_loop3A_253#0, %mul3A_255 : vector<16xf32>
        %mul3A_257 = arith.constant 7.812500e-03 : f32
        %mul3A_258 = vector.broadcast %mul3A_257 : f32 to vector<16xf32>
        %mul3A_259 = arith.mulf %parallel_loop3A_253#1, %mul3A_258 : vector<16xf32>
        %mul3A_260 = arith.mulf %mul3A_256, %mul3A_256 : vector<16xf32>
        %sub3A = arith.subf %mul3A_259, %mul3A_260 : vector<16xf32>
        %add3A_261 = arith.constant 9.99999996E-13 : f32
        %add3A_262 = vector.broadcast %add3A_261 : f32 to vector<16xf32>
        %add3A_263 = arith.addf %sub3A, %add3A_262 : vector<16xf32>
        %bitcast3A = vector.bitcast %add3A_263 : vector<16xf32> to vector<16xi32>
        %shift_right_logical3A = arith.constant 1 : i32
        %shift_right_logical3A_264 = vector.broadcast %shift_right_logical3A : i32 to vector<16xi32>
        %shift_right_logical3A_265 = arith.shrui %bitcast3A, %shift_right_logical3A_264 : vector<16xi32>
        %sub3A_266 = arith.constant 1597463007 : i32
        %sub3A_267 = vector.broadcast %sub3A_266 : i32 to vector<16xi32>
        %sub3A_268 = arith.subi %sub3A_267, %shift_right_logical3A_265 : vector<16xi32>
        %bitcast3A_269 = vector.bitcast %sub3A_268 : vector<16xi32> to vector<16xf32>
        %mul3A_270 = arith.constant 5.000000e-01 : f32
        %mul3A_271 = vector.broadcast %mul3A_270 : f32 to vector<16xf32>
        %mul3A_272 = arith.mulf %mul3A_271, %add3A_263 : vector<16xf32>
        %mul3A_273 = arith.mulf %mul3A_272, %bitcast3A_269 : vector<16xf32>
        %mul3A_274 = arith.mulf %mul3A_273, %bitcast3A_269 : vector<16xf32>
        %sub3A_275 = arith.constant 1.500000e+00 : f32
        %sub3A_276 = vector.broadcast %sub3A_275 : f32 to vector<16xf32>
        %sub3A_277 = arith.subf %sub3A_276, %mul3A_274 : vector<16xf32>
        %mul3A_278 = arith.mulf %bitcast3A_269, %sub3A_277 : vector<16xf32>
        %mul3A_279 = arith.constant 5.000000e-01 : f32
        %mul3A_280 = vector.broadcast %mul3A_279 : f32 to vector<16xf32>
        %mul3A_281 = arith.mulf %mul3A_280, %add3A_263 : vector<16xf32>
        %mul3A_282 = arith.mulf %mul3A_281, %mul3A_278 : vector<16xf32>
        %mul3A_283 = arith.mulf %mul3A_282, %mul3A_278 : vector<16xf32>
        %sub3A_284 = arith.constant 1.500000e+00 : f32
        %sub3A_285 = vector.broadcast %sub3A_284 : f32 to vector<16xf32>
        %sub3A_286 = arith.subf %sub3A_285, %mul3A_283 : vector<16xf32>
        %mul3A_287 = arith.mulf %mul3A_278, %sub3A_286 : vector<16xf32>
        %mul3A_288 = arith.constant 5.000000e-01 : f32
        %mul3A_289 = vector.broadcast %mul3A_288 : f32 to vector<16xf32>
        %mul3A_290 = arith.mulf %mul3A_289, %add3A_263 : vector<16xf32>
        %mul3A_291 = arith.mulf %mul3A_290, %mul3A_287 : vector<16xf32>
        %mul3A_292 = arith.mulf %mul3A_291, %mul3A_287 : vector<16xf32>
        %sub3A_293 = arith.constant 1.500000e+00 : f32
        %sub3A_294 = vector.broadcast %sub3A_293 : f32 to vector<16xf32>
        %sub3A_295 = arith.subf %sub3A_294, %mul3A_292 : vector<16xf32>
        %mul3A_296 = arith.mulf %mul3A_287, %sub3A_295 : vector<16xf32>
        %neg3A = arith.constant 0.000000e+00 : f32
        %neg3A_297 = vector.broadcast %neg3A : f32 to vector<16xf32>
        %neg3A_298 = arith.subf %neg3A_297, %mul3A_256 : vector<16xf32>
        %mul3A_299 = arith.mulf %neg3A_298, %mul3A_296 : vector<16xf32>
        %parallel_loop3A_300 = arith.constant 0 : i32
        %parallel_loop3A_301 = arith.constant 16 : i32
        %parallel_loop3A_302 = arith.constant 1 : i32
        scf.for %parallel_loop3A_303 = %parallel_loop3A_300 to %parallel_loop3A_301 step %parallel_loop3A_302  : i32 {
          %parallel_loop3A_304 = arith.constant 16 : i32
          %parallel_loop3A_305 = arith.muli %scan3A_236, %parallel_loop3A_304 : i32
          %parallel_loop3A_306 = arith.addi %parallel_loop3A_305, %parallel_loop3A_303 : i32
          %parallel_loop3A_307 = vector.broadcast %parallel_loop3A_303 : i32 to vector<16xi32>
          %parallel_loop3A_308 = arith.constant 0 : i32
          %parallel_loop3A_309 = vector.broadcast %parallel_loop3A_308 : i32 to vector<16xi32>
          %parallel_loop3A_310 = arith.cmpi slt, %parallel_loop3A_307, %parallel_loop3A_309 : vector<16xi32>
          %parallel_loop3A_311 = arith.constant 16 : i32
          %parallel_loop3A_312 = vector.broadcast %parallel_loop3A_311 : i32 to vector<16xi32>
          %parallel_loop3A_313 = arith.addi %parallel_loop3A_307, %parallel_loop3A_312 : vector<16xi32>
          %parallel_loop3A_314 = arith.select %parallel_loop3A_310, %parallel_loop3A_313, %parallel_loop3A_307 : vector<16xi1>, vector<16xi32>
          %parallel_loop3A_315 = vector.shape_cast %parallel_loop3A_314 : vector<16xi32> to vector<16x1xi32>
          %parallel_loop3A_316 = vector.shape_cast %parallel_loop3A_315 : vector<16x1xi32> to vector<16xi32>
          %parallel_loop3A_317 = tpu.dynamic_gather %mul3A_296[%parallel_loop3A_316] in [0] : vector<16xf32>, vector<16xi32> -> vector<16xf32>
          %parallel_loop3A_318 = vector.broadcast %parallel_loop3A_303 : i32 to vector<16xi32>
          %parallel_loop3A_319 = arith.constant 0 : i32
          %parallel_loop3A_320 = vector.broadcast %parallel_loop3A_319 : i32 to vector<16xi32>
          %parallel_loop3A_321 = arith.cmpi slt, %parallel_loop3A_318, %parallel_loop3A_320 : vector<16xi32>
          %parallel_loop3A_322 = arith.constant 16 : i32
          %parallel_loop3A_323 = vector.broadcast %parallel_loop3A_322 : i32 to vector<16xi32>
          %parallel_loop3A_324 = arith.addi %parallel_loop3A_318, %parallel_loop3A_323 : vector<16xi32>
          %parallel_loop3A_325 = arith.select %parallel_loop3A_321, %parallel_loop3A_324, %parallel_loop3A_318 : vector<16xi1>, vector<16xi32>
          %parallel_loop3A_326 = vector.shape_cast %parallel_loop3A_325 : vector<16xi32> to vector<16x1xi32>
          %parallel_loop3A_327 = vector.shape_cast %parallel_loop3A_326 : vector<16x1xi32> to vector<16xi32>
          %parallel_loop3A_328 = tpu.dynamic_gather %mul3A_299[%parallel_loop3A_327] in [0] : vector<16xf32>, vector<16xi32> -> vector<16xf32>
          %parallel_loop3A_329 = arith.index_cast %parallel_loop3A_306 : i32 to index
          %parallel_loop3A_330 = arith.constant 0 : index
          %parallel_loop3A_331 = tpu.vector_load %arg16[%parallel_loop3A_329, %parallel_loop3A_330] {strides = array<i32>} : memref<64x128xf32, #tpu.memory_space<vmem>>, vector<16xf32>,
          %parallel_loop3A_332 = arith.mulf %parallel_loop3A_331, %parallel_loop3A_317 : vector<16xf32>
          %parallel_loop3A_333 = arith.addf %parallel_loop3A_332, %parallel_loop3A_328 : vector<16xf32>
          %parallel_loop3A_334 = arith.mulf %parallel_loop3A_333, %get3A_192 : vector<16xf32>
          %parallel_loop3A_335 = arith.addf %parallel_loop3A_334, %get3A_208 : vector<16xf32>
          %parallel_loop3A_336 = arith.index_cast %parallel_loop3A_306 : i32 to index
          %parallel_loop3A_337 = arith.constant 0 : index
          %parallel_loop3A_338 = tpu.vector_load %arg18[%parallel_loop3A_336, %parallel_loop3A_337] {strides = array<i32>} : memref<64x128xf32, #tpu.memory_space<vmem>>, vector<16xf32>,
          tpu.vector_store %arg18[%parallel_loop3A_336, %parallel_loop3A_337], %parallel_loop3A_335 {strides = array<i32>} : memref<64x128xf32, #tpu.memory_space<vmem>>, vector<16xf32>,
          %parallel_loop3A_339 = arith.index_cast %parallel_loop3A_306 : i32 to index
          %parallel_loop3A_340 = arith.constant 16 : index
          %parallel_loop3A_341 = tpu.vector_load %arg16[%parallel_loop3A_339, %parallel_loop3A_340] {strides = array<i32>} : memref<64x128xf32, #tpu.memory_space<vmem>>, vector<16xf32>,
          %parallel_loop3A_342 = arith.mulf %parallel_loop3A_341, %parallel_loop3A_317 : vector<16xf32>
          %parallel_loop3A_343 = arith.addf %parallel_loop3A_342, %parallel_loop3A_328 : vector<16xf32>
          %parallel_loop3A_344 = arith.mulf %parallel_loop3A_343, %get3A_194 : vector<16xf32>
          %parallel_loop3A_345 = arith.addf %parallel_loop3A_344, %get3A_210 : vector<16xf32>
          %parallel_loop3A_346 = arith.index_cast %parallel_loop3A_306 : i32 to index
          %parallel_loop3A_347 = arith.constant 16 : index
          %parallel_loop3A_348 = tpu.vector_load %arg18[%parallel_loop3A_346, %parallel_loop3A_347] {strides = array<i32>} : memref<64x128xf32, #tpu.memory_space<vmem>>, vector<16xf32>,
          tpu.vector_store %arg18[%parallel_loop3A_346, %parallel_loop3A_347], %parallel_loop3A_345 {strides = array<i32>} : memref<64x128xf32, #tpu.memory_space<vmem>>, vector<16xf32>,
          %parallel_loop3A_349 = arith.index_cast %parallel_loop3A_306 : i32 to index
          %parallel_loop3A_350 = arith.constant 32 : index
          %parallel_loop3A_351 = tpu.vector_load %arg16[%parallel_loop3A_349, %parallel_loop3A_350] {strides = array<i32>} : memref<64x128xf32, #tpu.memory_space<vmem>>, vector<16xf32>,
          %parallel_loop3A_352 = arith.mulf %parallel_loop3A_351, %parallel_loop3A_317 : vector<16xf32>
          %parallel_loop3A_353 = arith.addf %parallel_loop3A_352, %parallel_loop3A_328 : vector<16xf32>
          %parallel_loop3A_354 = arith.mulf %parallel_loop3A_353, %get3A_196 : vector<16xf32>
          %parallel_loop3A_355 = arith.addf %parallel_loop3A_354, %get3A_212 : vector<16xf32>
          %parallel_loop3A_356 = arith.index_cast %parallel_loop3A_306 : i32 to index
          %parallel_loop3A_357 = arith.constant 32 : index
          %parallel_loop3A_358 = tpu.vector_load %arg18[%parallel_loop3A_356, %parallel_loop3A_357] {strides = array<i32>} : memref<64x128xf32, #tpu.memory_space<vmem>>, vector<16xf32>,
          tpu.vector_store %arg18[%parallel_loop3A_356, %parallel_loop3A_357], %parallel_loop3A_355 {strides = array<i32>} : memref<64x128xf32, #tpu.memory_space<vmem>>, vector<16xf32>,
          %parallel_loop3A_359 = arith.index_cast %parallel_loop3A_306 : i32 to index
          %parallel_loop3A_360 = arith.constant 48 : index
          %parallel_loop3A_361 = tpu.vector_load %arg16[%parallel_loop3A_359, %parallel_loop3A_360] {strides = array<i32>} : memref<64x128xf32, #tpu.memory_space<vmem>>, vector<16xf32>,
          %parallel_loop3A_362 = arith.mulf %parallel_loop3A_361, %parallel_loop3A_317 : vector<16xf32>
          %parallel_loop3A_363 = arith.addf %parallel_loop3A_362, %parallel_loop3A_328 : vector<16xf32>
          %parallel_loop3A_364 = arith.mulf %parallel_loop3A_363, %get3A_198 : vector<16xf32>
          %parallel_loop3A_365 = arith.addf %parallel_loop3A_364, %get3A_214 : vector<16xf32>
          %parallel_loop3A_366 = arith.index_cast %parallel_loop3A_306 : i32 to index
          %parallel_loop3A_367 = arith.constant 48 : index
          %parallel_loop3A_368 = tpu.vector_load %arg18[%parallel_loop3A_366, %parallel_loop3A_367] {strides = array<i32>} : memref<64x128xf32, #tpu.memory_space<vmem>>, vector<16xf32>,
          tpu.vector_store %arg18[%parallel_loop3A_366, %parallel_loop3A_367], %parallel_loop3A_365 {strides = array<i32>} : memref<64x128xf32, #tpu.memory_space<vmem>>, vector<16xf32>,
          %parallel_loop3A_369 = arith.index_cast %parallel_loop3A_306 : i32 to index
          %parallel_loop3A_370 = arith.constant 64 : index
          %parallel_loop3A_371 = tpu.vector_load %arg16[%parallel_loop3A_369, %parallel_loop3A_370] {strides = array<i32>} : memref<64x128xf32, #tpu.memory_space<vmem>>, vector<16xf32>,
          %parallel_loop3A_372 = arith.mulf %parallel_loop3A_371, %parallel_loop3A_317 : vector<16xf32>
          %parallel_loop3A_373 = arith.addf %parallel_loop3A_372, %parallel_loop3A_328 : vector<16xf32>
          %parallel_loop3A_374 = arith.mulf %parallel_loop3A_373, %get3A_200 : vector<16xf32>
          %parallel_loop3A_375 = arith.addf %parallel_loop3A_374, %get3A_216 : vector<16xf32>
          %parallel_loop3A_376 = arith.index_cast %parallel_loop3A_306 : i32 to index
          %parallel_loop3A_377 = arith.constant 64 : index
          %parallel_loop3A_378 = tpu.vector_load %arg18[%parallel_loop3A_376, %parallel_loop3A_377] {strides = array<i32>} : memref<64x128xf32, #tpu.memory_space<vmem>>, vector<16xf32>,
          tpu.vector_store %arg18[%parallel_loop3A_376, %parallel_loop3A_377], %parallel_loop3A_375 {strides = array<i32>} : memref<64x128xf32, #tpu.memory_space<vmem>>, vector<16xf32>,
          %parallel_loop3A_379 = arith.index_cast %parallel_loop3A_306 : i32 to index
          %parallel_loop3A_380 = arith.constant 80 : index
          %parallel_loop3A_381 = tpu.vector_load %arg16[%parallel_loop3A_379, %parallel_loop3A_380] {strides = array<i32>} : memref<64x128xf32, #tpu.memory_space<vmem>>, vector<16xf32>,
          %parallel_loop3A_382 = arith.mulf %parallel_loop3A_381, %parallel_loop3A_317 : vector<16xf32>
          %parallel_loop3A_383 = arith.addf %parallel_loop3A_382, %parallel_loop3A_328 : vector<16xf32>
          %parallel_loop3A_384 = arith.mulf %parallel_loop3A_383, %get3A_202 : vector<16xf32>
          %parallel_loop3A_385 = arith.addf %parallel_loop3A_384, %get3A_218 : vector<16xf32>
          %parallel_loop3A_386 = arith.index_cast %parallel_loop3A_306 : i32 to index
          %parallel_loop3A_387 = arith.constant 80 : index
          %parallel_loop3A_388 = tpu.vector_load %arg18[%parallel_loop3A_386, %parallel_loop3A_387] {strides = array<i32>} : memref<64x128xf32, #tpu.memory_space<vmem>>, vector<16xf32>,
          tpu.vector_store %arg18[%parallel_loop3A_386, %parallel_loop3A_387], %parallel_loop3A_385 {strides = array<i32>} : memref<64x128xf32, #tpu.memory_space<vmem>>, vector<16xf32>,
          %parallel_loop3A_389 = arith.index_cast %parallel_loop3A_306 : i32 to index
          %parallel_loop3A_390 = arith.constant 96 : index
          %parallel_loop3A_391 = tpu.vector_load %arg16[%parallel_loop3A_389, %parallel_loop3A_390] {strides = array<i32>} : memref<64x128xf32, #tpu.memory_space<vmem>>, vector<16xf32>,
          %parallel_loop3A_392 = arith.mulf %parallel_loop3A_391, %parallel_loop3A_317 : vector<16xf32>
          %parallel_loop3A_393 = arith.addf %parallel_loop3A_392, %parallel_loop3A_328 : vector<16xf32>
          %parallel_loop3A_394 = arith.mulf %parallel_loop3A_393, %get3A_204 : vector<16xf32>
          %parallel_loop3A_395 = arith.addf %parallel_loop3A_394, %get3A_220 : vector<16xf32>
          %parallel_loop3A_396 = arith.index_cast %parallel_loop3A_306 : i32 to index
          %parallel_loop3A_397 = arith.constant 96 : index
          %parallel_loop3A_398 = tpu.vector_load %arg18[%parallel_loop3A_396, %parallel_loop3A_397] {strides = array<i32>} : memref<64x128xf32, #tpu.memory_space<vmem>>, vector<16xf32>,
          tpu.vector_store %arg18[%parallel_loop3A_396, %parallel_loop3A_397], %parallel_loop3A_395 {strides = array<i32>} : memref<64x128xf32, #tpu.memory_space<vmem>>, vector<16xf32>,
          %parallel_loop3A_399 = arith.index_cast %parallel_loop3A_306 : i32 to index
          %parallel_loop3A_400 = arith.constant 112 : index
          %parallel_loop3A_401 = tpu.vector_load %arg16[%parallel_loop3A_399, %parallel_loop3A_400] {strides = array<i32>} : memref<64x128xf32, #tpu.memory_space<vmem>>, vector<16xf32>,
          %parallel_loop3A_402 = arith.mulf %parallel_loop3A_401, %parallel_loop3A_317 : vector<16xf32>
          %parallel_loop3A_403 = arith.addf %parallel_loop3A_402, %parallel_loop3A_328 : vector<16xf32>
          %parallel_loop3A_404 = arith.mulf %parallel_loop3A_403, %get3A_206 : vector<16xf32>
          %parallel_loop3A_405 = arith.addf %parallel_loop3A_404, %get3A_222 : vector<16xf32>
          %parallel_loop3A_406 = arith.index_cast %parallel_loop3A_306 : i32 to index
          %parallel_loop3A_407 = arith.constant 112 : index
          %parallel_loop3A_408 = tpu.vector_load %arg18[%parallel_loop3A_406, %parallel_loop3A_407] {strides = array<i32>} : memref<64x128xf32, #tpu.memory_space<vmem>>, vector<16xf32>,
          tpu.vector_store %arg18[%parallel_loop3A_406, %parallel_loop3A_407], %parallel_loop3A_405 {strides = array<i32>} : memref<64x128xf32, #tpu.memory_space<vmem>>, vector<16xf32>,
        } {sc.loop_unroll_factor = 4 : i64, sc.parallel_access}
      }
      %scan3A_228 = arith.constant 4 : i32
      %mul3A_229 = arith.constant 64 : i32
      %mul3A_230 = arith.muli %add3A_42, %mul3A_229 : i32
      %add3A_231 = arith.addi %mul3A_2, %mul3A_230 : i32
      %dma_start3A_232 = arith.constant 0 : i32
      %dma_start3A_233 = tpu.memref_slice %arg8[%add3A_231, %dma_start3A_232] : memref<819200x128xf32, #tpu.memory_space<hbm>> -> memref<64x128xf32, #tpu.memory_space<hbm>>
      %dma_start3A_234 = arith.constant 0 : i32
      %dma_start3A_235 = tpu.memref_slice %arg8[%add3A_231, %dma_start3A_234] : memref<819200x128xf32, #tpu.memory_space<hbm>> -> memref<64x128xf32, #tpu.memory_space<hbm>>
      tpu.enqueue_dma source(%arg18 : memref<64x128xf32, #tpu.memory_space<vmem>>) target(%dma_start3A_235 : memref<64x128xf32, #tpu.memory_space<hbm>>) target_semaphore(%arg26 : memref<!tpu.dma_semaphore, #tpu.memory_space<semaphore_mem>>)
    }
    %scan3A_26 = arith.constant 200 : i32
    %add3A_27 = arith.constant 25472 : i32
    %add3A_28 = arith.addi %mul3A_2, %add3A_27 : i32
    %dma_wait3A = arith.constant 0 : i32
    %dma_wait3A_29 = tpu.memref_slice %arg8[%add3A_28, %dma_wait3A] : memref<819200x128xf32, #tpu.memory_space<hbm>> -> memref<64x128xf32, #tpu.memory_space<hbm>>
    %dma_wait3A_30 = arith.constant 0 : i32
    %dma_wait3A_31 = tpu.memref_slice %arg8[%add3A_28, %dma_wait3A_30] : memref<819200x128xf32, #tpu.memory_space<hbm>> -> memref<64x128xf32, #tpu.memory_space<hbm>>
    tpu.wait_dma2 semaphore(%arg25 : memref<!tpu.dma_semaphore, #tpu.memory_space<semaphore_mem>>) src(%arg17 : memref<64x128xf32, #tpu.memory_space<vmem>>) dst(%dma_wait3A_31 : memref<64x128xf32, #tpu.memory_space<hbm>>)
    %add3A_32 = arith.constant 25536 : i32
    %add3A_33 = arith.addi %mul3A_2, %add3A_32 : i32
    %dma_wait3A_34 = arith.constant 0 : i32
    %dma_wait3A_35 = tpu.memref_slice %arg8[%add3A_33, %dma_wait3A_34] : memref<819200x128xf32, #tpu.memory_space<hbm>> -> memref<64x128xf32, #tpu.memory_space<hbm>>
    %dma_wait3A_36 = arith.constant 0 : i32
    %dma_wait3A_37 = tpu.memref_slice %arg8[%add3A_33, %dma_wait3A_36] : memref<819200x128xf32, #tpu.memory_space<hbm>> -> memref<64x128xf32, #tpu.memory_space<hbm>>
    tpu.wait_dma2 semaphore(%arg26 : memref<!tpu.dma_semaphore, #tpu.memory_space<semaphore_mem>>) src(%arg18 : memref<64x128xf32, #tpu.memory_space<vmem>>) dst(%dma_wait3A_37 : memref<64x128xf32, #tpu.memory_space<hbm>>)
    return
  }
}

</mosaic_0001>

<sc_bundles>
// kernel: kernel.3.cloned.1.call-start
scs
__scs_entry_jumppad:
0x0: {  	(pc) =	sbr.rel $0x88, $3  }
0x1: {  	(tag) =	ssettag $0x0;
	lr =	simm.s32 $0x1  }
0x2: {  	[smem:$0x3F98] =	sst lr;
	_ =	strace $0xD0000000  }
0x3: {  	_ = 	snop  }
0x4: {  	_ = 	snop  }
0x5: {  	_ = 	snop  }
0x6: {  	_ = 	snop  }
0x7: {  	_ = 	snop  }
__scs_overlays_trampoline_lowered:
0x8: {  	[smem:$0x3FA7] =	sst s0  }
0x9: {  	[smem:$0x3FA8] =	sst s1  }
0xa: {  	[smem:$0x3FA9] =	sst s2  }
0xb: {  	[smem:$0x3FAA] =	sst s3  }
0xc: {  	[smem:$0x3FAB] =	sst s4  }
0xd: {  	[smem:$0x3FAC] =	sst s5  }
0xe: {  	[smem:$0x3FAD] =	sst s6  }
0xf: {  	[smem:$0x3FAE] =	sst s7  }
0x10: {  	[smem:$0x3FAF] =	sst s8  }
0x11: {  	[smem:$0x3FB0] =	sst s9;
	s0 =	simm.s32 @!p0 $0x0  }
0x12: {  	s1 =	sld [smem:$0x3F96];
	s0 =	simm.s32 @p0 $0x1  }
0x13: {  	[smem:$0x3FB1] =	sst s0;
	s0 =	simm.s32 @!p1 $0x0  }
0x14: {  	s2 =	sld [smem:$0x3F95];
	s0 =	simm.s32 @p1 $0x1  }
0x15: {  	[smem:$0x3FB2] =	sst s0;
	s0 =	simm.s32 @!p2 $0x0  }
0x16: {  	s3 =	sld [smem:$0x3FDB];
	s0 =	simm.s32 @p2 $0x1  }
0x17: {  	s4 =	simm.s32 $0x1BF5;
	[smem:$0x3FB4] =	sst s0  }
0x18: {  	s0 =	sld [smem:$0x3F97];
	_ =	swait.ge [sflag:s4], $0x0  }
0x19: {  	s7 =	sld [smem:$0x3F98]  }
0x1a: {  	s8 =	sadd.s32 $0xFFFFE003, lr  }
0x1b: {  	s9 =	sadd.s32 $0xFFFFFEF7, lr;
	s5 =	simm.s32 $0xFFFFFFFF;
	p2 =	slt.u32 s8, $0xFFFFF086  }
0x1c: {  	p1 =	slt.u32 s9, $0xF7A;
	s5 =	simm.s32 @!p2 $0x0  }
0x1d: {  	s5 =	simm.s32 @p1 $0x1;
	p0 =	seq.s32 s7, s2  }
0x1e: {  	s7 =	smul.u32 @!p0 $0xF7A, s2;
	p2 =	seq.s32 @!p0 s5, $0x0  }
0x1f: {  	s9 =	smul.u32 $0xF7A, s1;
	s8 =	simm.s32 @!p0 $0x1BF5;
	p2 =	por !p2, p0  }
0x20: {  	[sflag:s8] =	ssyncset.s32 @!p0 $0xFFFFF086;
	s6 =	sadd.s32 @!p0 s3, s7;
	s7 =	simm.s32 @!p0 $0x108  }
0x21: {  	s3 =	sadd.s32 s3, s9;
	s6 =	sadd.s32 @!p0 $0x88, s6;
	s7 =	simm.s32 @p2 $0x1082  }
0x22: {  	[simem:s7], [sflag:s8] =	dma.local @!p0 [hbm:s6], $0xF7A  }
0x23: {  	s9 =	sor.u32 $0xD0000000, s2;
	s6 =	simm.s32 $0x108;
	_ =	swait.ge @!p0 [sflag:s8], $0x0  }
0x24: {  	s3 =	sadd.s32 $0x88, s3;
	s6 =	simm.s32 @!p1 $0x1082;
	[sflag:s4] =	ssyncset.s32 $0xFFFFF086  }
0x25: {  	[simem:s6], [sflag:s4] =	dma.local [hbm:s3], $0xF7A  }
0x26: {  	[smem:$0x3F98] =	sst s1;
	(tag) =	ssettag s2;
	_ =	strace s9  }
0x27: {  	s1 =	sld [smem:$0x3FA8]  }
0x28: {  	s2 =	sld [smem:$0x3FA9]  }
0x29: {  	s4 =	sld [smem:$0x3FAB]  }
0x2a: {  	p0 =	seq.s32 s5, $0x0;
	s5 =	sld [smem:$0x3FAC]  }
0x2b: {  	s6 =	sld [smem:$0x3FAD]  }
0x2c: {  	s7 =	sld [smem:$0x3FAE]  }
0x2d: {  	s3 =	simm.s32 $0x108;
	s8 =	sld [smem:$0x3FAF]  }
0x2e: {  	s3 =	simm.s32 @!p0 $0x1082;
	s9 =	sld [smem:$0x3FB0]  }
0x2f: {  	lr =	sadd.s32 s0, s3;
	s0 =	sld [smem:$0x3FA7]  }
0x30: {  	s3 =	sld [smem:$0x3FAA]  }
0x31: {  	[smem:$0x3FB3] =	sst s10  }
0x32: {  	s10 =	sld [smem:$0x3FB1];
	_ =	sdelay $0x3  }
0x33: {  	p0 =	seq.s32 s10, $0x1;
	s10 =	sld [smem:$0x3FB3];
	_ =	sdelay $0x3  }
0x34: {  	[smem:$0x3FB3] =	sst s10  }
0x35: {  	s10 =	sld [smem:$0x3FB2];
	_ =	sdelay $0x3  }
0x36: {  	p1 =	seq.s32 s10, $0x1;
	s10 =	sld [smem:$0x3FB3];
	_ =	sdelay $0x3  }
0x37: {  	[smem:$0x3FB3] =	sst s10  }
0x38: {  	s10 =	sld [smem:$0x3FB4]  }
0x39: {  	_ = 	snop;
	(pc) =	sbr.ind lr, $3  }
0x3a: {  	_ = 	snop  }
0x3b: {  	_ = 	snop  }
0x3c: {  	p2 =	seq.s32 s10, $0x1;
	s10 =	sld [smem:$0x3FB3]  }
0x3d: {  	_ =	shalt  }
0x3e: {  	_ =	shalt  }
0x3f: {  	_ =	shalt  }
0x40: {  	_ =	shalt  }
0x41: {  	_ =	shalt  }
0x42: {  	_ =	shalt  }
0x43: {  	_ =	shalt  }
0x44: {  	_ =	shalt  }
0x45: {  	_ =	shalt  }
0x46: {  	_ =	shalt  }
0x47: {  	_ =	shalt  }
0x48: {  	_ =	shalt  }
0x49: {  	_ =	shalt  }
0x4a: {  	_ =	shalt  }
0x4b: {  	_ =	shalt  }
0x4c: {  	_ =	shalt  }
0x4d: {  	_ =	shalt  }
0x4e: {  	_ =	shalt  }
0x4f: {  	_ =	shalt  }
0x50: {  	_ =	shalt  }
0x51: {  	_ =	shalt  }
0x52: {  	_ =	shalt  }
0x53: {  	_ =	shalt  }
0x54: {  	_ =	shalt  }
0x55: {  	_ =	shalt  }
0x56: {  	_ =	shalt  }
0x57: {  	_ =	shalt  }
0x58: {  	_ =	shalt  }
0x59: {  	_ =	shalt  }
0x5a: {  	_ =	shalt  }
0x5b: {  	_ =	shalt  }
0x5c: {  	_ =	shalt  }
0x5d: {  	_ =	shalt  }
0x5e: {  	_ =	shalt  }
0x5f: {  	_ =	shalt  }
0x60: {  	_ =	shalt  }
0x61: {  	_ =	shalt  }
0x62: {  	_ =	shalt  }
0x63: {  	_ =	shalt  }
0x64: {  	_ =	shalt  }
0x65: {  	_ =	shalt  }
0x66: {  	_ =	shalt  }
0x67: {  	_ =	shalt  }
0x68: {  	_ =	shalt  }
0x69: {  	_ =	shalt  }
0x6a: {  	_ =	shalt  }
0x6b: {  	_ =	shalt  }
0x6c: {  	_ =	shalt  }
0x6d: {  	_ =	shalt  }
0x6e: {  	_ =	shalt  }
0x6f: {  	_ =	shalt  }
0x70: {  	_ =	shalt  }
0x71: {  	_ =	shalt  }
0x72: {  	_ =	shalt  }
0x73: {  	_ =	shalt  }
0x74: {  	_ =	shalt  }
0x75: {  	_ =	shalt  }
0x76: {  	_ =	shalt  }
0x77: {  	_ =	shalt  }
0x78: {  	_ =	shalt  }
0x79: {  	_ =	shalt  }
0x7a: {  	_ =	shalt  }
0x7b: {  	_ =	shalt  }
0x7c: {  	_ =	shalt  }
0x7d: {  	_ =	shalt  }
0x7e: {  	_ =	shalt  }
0x7f: {  	_ =	shalt  }
0x80: {  	_ =	shalt  }
0x81: {  	_ =	shalt  }
0x82: {  	_ =	shalt  }
0x83: {  	_ =	shalt  }
0x84: {  	_ =	shalt  }
0x85: {  	_ =	shalt  }
0x86: {  	_ =	shalt  }
0x87: {  	_ =	shalt  }
.Lfunc_end0:
.L_simem_size_0:
called_computation_lowered:
.L_overlay_start_0:
0x88: {  	s2 =	sld [smem:$0x3FD9]  }
0x89: {  	s3 =	sld [smem:$0x3FFE];
	_ =	sdelay $0x1  }
0x8a: {  	s1 =	srdreg.scid  }
0x8b: {  	s0 =	sand.u32 $0x1, s1  }
0x8c: {  	s17 =	sshll.u32 s0, $0xA;
	s2 =	sadd.s32 s3, s2  }
0x8d: {  	s2 =	sadd.s32 s2, s17  }
0x8e: {  	[smem:$0x3FBF] =	sst s2  }
0x8f: {  	_ = 	snop  }
0x90: {  	s2 =	sld [smem:$0x3FC3]  }
0x91: {  	s18 =	sld [smem:$0x3FC2]  }
0x92: {  	s4 =	sld [smem:$0x3FC1]  }
0x93: {  	s5 =	sld [smem:$0x3FD0];
	(tm) =	ssettm $0x1  }
0x94: {  	s6 =	sld [smem:$0x3FFB];
	_ =	sdelay $0x3  }
0x95: {  	_ =	strace s6  }
0x96: {  	s6 =	sld [smem:$0x3FFC];
	_ =	sdelay $0x3  }
0x97: {  	_ =	strace s6  }
0x98: {  	s6 =	sld [smem:$0x3FFD];
	_ =	sdelay $0x3  }
0x99: {  	_ =	strace s6  }
0x9a: {  	_ =	strace $0x8FFFFFFF  }
0x9b: {  	s19 =	sld [smem:$0x3FDB];
	_ =	sdelay $0x1  }
0x9c: {  	s7 =	simm.s32 $_scs_section_size  }
0x9d: {  	s8 =	simm.s32 $_size__tile_overlayer_lowered;
	s9 =	simm.s32 $_tile_overlayer_lowered  }
0x9e: {  	s22 =	simm.s32 $0x1BFF;
	s21 =	sshll.u32 s9, $0x1;
	s6 =	sadd.s32 s7, s19  }
0x9f: {  	s10 =	simm.s32 $0x0;
	s20 =	sshll.u32 s8, $0x1;
	s8 =	sadd.s32 s21, s6  }
0xa0: {  	[timem:s10], [sflag:s22] =	dma.local [hbm:s8], s20  }
0xa1: {  	_ =	swait.ge [sflag:s22], s20  }
0xa2: {  	s7 =	ssub.s32 $0x0, s20;
	[sflag:s22] =	ssyncset.done $0x0  }
0xa3: {  	[sflag:s22] =	ssyncadd.s32 s7;
	_ =	sdelay $0x1  }
0xa4: {  	s23 =	simm.s32 $0x1B8B  }
0xa5: {  	_ =	swait.ge [sflag:s23], $0x1  }
0xa6: {  	[sflag:s23] =	ssyncset.done $0x0  }
0xa7: {  	s25 =	simm.s32 $0x1B8E;
	s24 =	sld [smem:$0x3FFE];
	[sflag:s23] =	ssyncadd.s32 $0xFFFFFFFF  }
0xa8: {  	s26 =	simm.s32 $execute0_lowered;
	[smem:$0x3FD2] =	sst s25  }
0xa9: {  	s8 =	sshll.u32 s26, $0x1;
	_ =	strace $0x80000046;
	[dreg:$0x1] =	wrdreg $0xFFFFFFFF  }
0xaa: {  	s28 =	simm.s32 $_size_execute0_lowered;
	s6 =	sadd.s32 s6, s8;
	[dreg:$0x0] =	wrdreg $0x0  }
0xab: {  	s8 =	sshll.u32 s28, $0x1;
	[dreg:$0x2] =	wrdreg s6  }
0xac: {  	[dreg:$0x3] =	wrdreg s8  }
0xad: {  	[dreg:$0x4] =	wrdreg $0xC0  }
0xae: {  	_ =	task [dreg:s10], $0x5FFFF  }
0xaf: {  	[dreg:$0x1] =	wrdreg $0xFFFFFFFF  }
0xb0: {  	[dreg:$0x0] =	wrdreg $0x60  }
0xb1: {  	[dreg:$0x2] =	wrdreg s24  }
0xb2: {  	[dreg:$0x3] =	wrdreg s2  }
0xb3: {  	[dreg:$0x4] =	wrdreg s18  }
0xb4: {  	[dreg:$0x5] =	wrdreg s4  }
0xb5: {  	[dreg:$0x6] =	wrdreg s5  }
0xb6: {  	[dreg:$0x7] =	wrdreg $0x9  }
0xb7: {  	_ =	task.clear_ibuf [dreg:s10], $0x8FFFF;
	_ =	strace $0x90000046  }
0xb8: {  	s29 =	simm.s32 $0x9;
	_ =	strace $0x80000048  }
0xb9: {  	_ =	swait.ge [sflag:s29], $0x1  }
0xba: {  	[sflag:s29] =	ssyncadd.s32 $0xFFFFFFFF  }
0xbb: {  	_ =	strace $0x90000048  }
0xbc: {  	_ =	sfence  }
0xbd: {  	s30 =	sld [smem:$0x0];
	_ =	sdelay $0x2  }
0xbe: {  	s31 =	sshll.u32 s1, $0xD;
	s1 =	sshrl.u32 s1, $0x2  }
0xbf: {  	s3 =	sand.u32 $0x4000, s31;
	s1 =	sadd.s32 s1, s30  }
0xc0: {  	s0 =	sor.u32 s3, s0;
	s1 =	sshll.u32 s1, $0x11  }
0xc1: {  	s0 =	sor.u32 s1, s0  }
0xc2: {  	s0 =	sadd.s32 $0x8F2B, s0  }
0xc3: {  	[sflag:s0] =	ssyncadd.remote.s32 $0x1  }
0xc4: {  	_ =	sfence.sel $0xFFFF  }
0xc5: {  	[dreg:$0x0] =	wrdreg $0xFFFFFFFF;
	(pc) =	sbr.abs _section_cstart, $3  }
0xc6: {  	[dreg:$0x1] =	wrdreg $0xFFFFFFFF  }
0xc7: {  	_ =	task.clear_ibuf [dreg:s10], $0x2FFFF;
	_ =	strace $0x9FFFFFFF  }
0xc8: {  	(tm) =	ssettm $0x7FFFFFFF  }
0xc9: {  	_ =	shalt  }
tec
execute0_lowered:
.L_overlay_start_1:
0x0: {  	(tag) =	ssettag $0x1  }
0x1: {  	s0 =	rddreg [dreg:$0x0]  }
0x2: {  	s5 =	rddreg [dreg:$0x4]  }
0x3: {  	s1 =	srdreg.scid;
	s2 =	stileid.u32  }
0x4: {  	s6 =	simm.s32 $0x0;
	s17 =	simm.s32 $0x6400;
	s22 =	simm.s32 $0x16700  }
0x5: {  	s23 =	simm.s32 $0x16600;
	s24 =	simm.s32 $0x2;
	s25 =	simm.s32 $0x18700  }
0x6: {  	s26 =	simm.s32 $0x3;
	s29 =	simm.s32 $0x4;
	s31 =	simm.s32 $0x5  }
0x7: {  	s1 =	sand.u32 $0x1, s1;
	s2 =	sshll.u32 s2, $0x1;
	[smem:$0x7FF] =	sst s6  }
0x8: {  	s7 =	sadd.s32 $0x30EA00, s0;
	s8 =	sadd.s32 $0x800, s0;
	s2 =	sor.u32 s1, s2  }
0x9: {  	s0 =	sadd.s32 $0x30DC00, s0;
	s1 =	ssub.s32 $0x2, s1;
	s3 =	smul.u32 $0x3200, s2  }
0xa: {  	_ =	strace $0x80000047;
	[dreg:$0x7] =	wrdreg s0;
	s4 =	sshrl.u32 s1, $0x1  }
0xb: {  	v0 =	vlaneseq.u32;
	s9 =	smul.u32 $0x190, s2;
	s28 =	ssub.s32 s1, s4;
	s3 =	sadd.s32 s7, s3  }
0xc: {  	v1 =	vmul.u32 $0x80, v0;
	s13 =	smul.u32 $0x320000, s2;
	s0 =	smax.u32 s28, $0x1;
	[dreg:$0x6] =	wrdreg s3  }
0xd: {  	s2 =	simm.s32 $0x0;
	s30 =	sadd.s32 $0x20, s3;
	[dreg:$0x9] =	wrdreg s0  }
0xe: {  	[tilespmem:$0x1FFF0] =	vst v1;
	s12 =	sor.u32 $0x2, s9;
	s14 =	sor.u32 $0x3, s9;
	[dreg:$0x8] =	wrdreg s30  }
.LBB2_1:
0xf: {  	[dreg:$0xa] =	wrdreg s2  }
0x10: {  	s0 =	rddreg [dreg:$0x7];
	s1 =	simm.s32 $0x7  }
0x11: {  	[tilespmem:s6], [sflag:$0x7] =	stream.linear.gather [hbm4b:s0+s6], $0x6400, $0x38;
	[tilespmem:$0x1E800] =	vst v63  }
0x12: {  	_ =	swait.ge [sflag:s1], $0x6400  }
0x13: {  	[sflag:s1] =	ssyncset.done $0x0  }
0x14: {  	[sflag:s1] =	ssyncadd.s32 $0xFFFF9C00  }
0x15: {  	s11 =	rddreg [dreg:$0x1]  }
0x16: {  	[tilespmem:s17], [sflag:$0x7] =	stream.linear.gather [hbm4b:s11+s6], $0x10000, $0x38;
	[tilespmem:$0x1E800] =	vst v63  }
0x17: {  	_ =	swait.ge [sflag:s1], $0x10000  }
0x18: {  	[sflag:s1] =	ssyncset.done $0x0  }
0x19: {  	[sflag:s1] =	ssyncadd.s32 $0xFFFF0000  }
0x1a: {  	s16 =	simm.s32 $0x16400;
	s15 =	rddreg [dreg:$0x2]  }
0x1b: {  	[tilespmem:s16], [sflag:$0x7] =	stream.linear.gather [hbm4b:s15+s6], $0x80, $0x38;
	[tilespmem:$0x1E800] =	vst v63  }
0x1c: {  	_ =	swait.ge [sflag:s1], $0x80  }
0x1d: {  	[sflag:s1] =	ssyncset.done $0x0  }
0x1e: {  	[sflag:s1] =	ssyncadd.s32 $0xFFFFFF80  }
0x1f: {  	s19 =	simm.s32 $0x16480;
	s18 =	rddreg [dreg:$0x3]  }
0x20: {  	[tilespmem:s19], [sflag:$0x7] =	stream.linear.gather [hbm4b:s18+s6], $0x80, $0x38;
	[tilespmem:$0x1E800] =	vst v63  }
0x21: {  	_ =	swait.ge [sflag:s1], $0x80  }
0x22: {  	[sflag:s1] =	ssyncset.done $0x0  }
0x23: {  	s21 =	simm.s32 $0x16500;
	s20 =	rddreg [dreg:$0x6];
	[sflag:s1] =	ssyncadd.s32 $0xFFFFFF80  }
0x24: {  	[tilespmem:s21], [sflag:$0x7] =	stream.linear.gather [hbm4b:s20+s6], $0x100, $0x38;
	[tilespmem:$0x1E800] =	vst v63  }
0x25: {  	_ =	swait.ge [sflag:s1], $0x100  }
0x26: {  	[sflag:s1] =	ssyncset.done $0x0  }
0x27: {  	s28 =	simm.s32 $0x40;
	[sflag:s1] =	ssyncadd.s32 $0xFFFFFF00  }
0x28: {  	[tilespmem:s22], [sflag:$0x3] =	stream.indirect.gather [hbm4b:s8+s28], $0x80, s21, s28, $0xb8;
	[tilespmem:$0x1E800] =	vst v63  }
0x29: {  	s30 =	rddreg [dreg:$0x8];
	s1 =	simm.s32 $0x0  }
0x2a: {  	[tilespmem:s23], [sflag:$0x2] =	stream.linear.gather [hbm4b:s30+s6], $0x100, $0x38;
	[tilespmem:$0x1E800] =	vst v63  }
.LBB2_2:
0x2b: {  	_ =	swait.ge [sflag:s24], $0x100  }
0x2c: {  	[sflag:s24] =	ssyncset.done $0x0  }
0x2d: {  	s0 =	simm.s32 $0x40;
	[sflag:s24] =	ssyncadd.s32 $0xFFFFFF00  }
0x2e: {  	[tilespmem:s25], [sflag:$0x4] =	stream.indirect.gather [hbm4b:s8+s0], $0x80, s23, s0, $0xb8;
	[tilespmem:$0x1E800] =	vst v63  }
0x2f: {  	_ =	swait.ge [sflag:s26], $0x2000  }
0x30: {  	[sflag:s26] =	ssyncset.done $0x0  }
0x31: {  	[sflag:s26] =	ssyncadd.s32 $0xFFFFE000  }
0x32: {  	v2 =	vld [tilespmem:$0x16580]  }
0x33: {  	v3 =	vld [tilespmem:$0x16590]  }
0x34: {  	p0 =	seq.s32 s1, $0xC7;
	v4 =	vld [tilespmem:$0x165A0]  }
0x35: {  	p1 =	seq.s32 @!p0 s1, $0x0;
	v5 =	vld [tilespmem:$0x165B0]  }
0x36: {  	s4 =	sshll.u32 s1, $0x1;
	p1 =	por p0, !p1  }
.Ltmp0:
0x37: {  	s0 =	sadd.s32 @!p0 s4, s12;
	[tilespmem:$0x1E700] =	vst v2;
	(pc) =	sbr.rel @!p1 .LBB2_3-.Ltmp0, $4  }
0x38: {  	s0 =	sshll.u32 @!p0 s0, $0x5;
	[tilespmem:$0x1E710] =	vst v3  }
0x39: {  	s0 =	sand.u32 @!p0 $0x1FFFFFC0, s0;
	[tilespmem:$0x1E720] =	vst v4  }
0x3a: {  	s2 =	simm.s32 @!p0 $0x0;
	s3 =	simm.s32 @!p0 $0x16500;
	s0 =	sadd.s32 @!p0 s7, s0;
	[tilespmem:$0x1E730] =	vst v5  }
0x3b: {  	[tilespmem:s3], [sflag:$0x1] =	stream.linear.gather @!p0 [hbm4b:s0+s2], $0x100, $0x38;
	[tilespmem:$0x1E800] =	vst v63  }
.Ltmp1:
0x3c: {  	(pc) =	sbr.rel .LBB2_5-.Ltmp1, $4  }
0x3d: {  	_ = 	snop  }
0x3e: {  	_ =	swait.ge [sflag:s31], $0x2000  }
0x3f: {  	[sflag:s31] =	ssyncset.done $0x0  }
0x40: {  	p1 =	por $0x0, $0x0;
	[sflag:s31] =	ssyncadd.s32 $0xFFFFE000  }
.LBB2_3:
0x41: {  	p1 =	por @!p0 $0x1, $0x1  }
.LBB2_5:
0x42: {  	v2 =	vld [tilespmem:$0x16400]  }
0x43: {  	v3 =	vld [tilespmem:$0x16410]  }
0x44: {  	v4 =	vld [tilespmem:$0x16420]  }
0x45: {  	v5 =	vld [tilespmem:$0x16430]  }
0x46: {  	v6 =	vld [tilespmem:$0x16440]  }
0x47: {  	v7 =	vld [tilespmem:$0x16450]  }
0x48: {  	v8 =	vld [tilespmem:$0x16460]  }
0x49: {  	v9 =	vld [tilespmem:$0x16470]  }
0x4a: {  	v10 =	vld [tilespmem:$0x16480]  }
0x4b: {  	v11 =	vld [tilespmem:$0x16490]  }
0x4c: {  	v12 =	vld [tilespmem:$0x164A0]  }
0x4d: {  	v13 =	vld [tilespmem:$0x164B0]  }
0x4e: {  	v16 =	vld [tilespmem:$0x164E0]  }
0x4f: {  	v14 =	vld [tilespmem:$0x164C0];
	s0 =	sshll.u32 s1, $0x7  }
0x50: {  	v15 =	vld [tilespmem:$0x164D0];
	s2 =	sshllo.u32 s1, $0x1;
	s18 =	simm.s32 $0x0;
	v1 =	vor.u32 s0, v0  }
0x51: {  	v17 =	vld [tilespmem:$0x164F0];
	s3 =	simm.s32 $0x16800;
	s10 =	simm.s32 $0x0;
	s0 =	simm.s32 $0x1A800;
	[tilespmem:$0x1FFE0] =	vst v1  }
.LBB2_6:
0x52: {  	v1 =	vld [tilespmem:$0x1FFE0];
	_ =	sdelay $0x3  }
0x53: {  	s9 =	sshll.u32 s10, $0x4  }
0x54: {  	v19 =	vor.u32 s9, v1  }
0x55: {  	v1 =	vld [tilespmem:$0x1FFF0];
	v20 =	vmulhi.u32 $0x51EB851F, v19;
	_ =	sdelay $0x1  }
0x56: {  	v23 =	vadd.s32 s18, v0;
	s11 =	simm.s32 $0x5;
	v20 =	vshrl.u32 v20, $0x6  }
0x57: {  	s15 =	simm.s32 $0x3;
	v21 =	vld [tilespmem:s9+$0x1E700];
	v22 =	vmov s9;
	v26 =	vadd.s32 s11, v0;
	v20 =	vmul.u32 $0xC8, v20  }
0x58: {  	v22 =	vshll.u32 v22, $0x7;
	v28 =	vand.u32 $0x7F, v26;
	v26 =	vadd.s32 s15, v0  }
0x59: {  	v32 =	vand.u32 $0x7F, v26;
	v24 =	vor.u32 v1, v22;
	v19 =	vsub.s32 v19, v20  }
0x5a: {  	v26 =	vor.u32 v24, v32;
	v20 =	vshll.u32 v19, $0x7;
	v19 =	vand.u32 $0x7F, v23  }
0x5b: {  	s28 =	simm.s32 $0x6;
	v22 =	vor.u32 v20, v19  }
0x5c: {  	v25 =	vadd.s32 s28, v0;
	v23 =	vshll.u32 v21, $0x7;
	v21 =	vor.u32 v24, v19  }
0x5d: {  	s30 =	simm.s32 $0x4;
	v27 =	vand.u32 $0x7F, v25;
	v19 =	vor.u32 v23, v19  }
0x5e: {  	v25 =	vadd.s32 s30, v0;
	v29 =	vor.u32 v20, v27  }
0x5f: {  	v25 =	vand.u32 $0x7F, v25;
	v30 =	vor.u32 v20, v28;
	v49 =	vld.idx.msk [tilespmem:v26+s22+$0x0], $0xffff  }
0x60: {  	s16 =	simm.s32 $0x2;
	v33 =	vor.u32 v20, v25;
	v34 =	vld.idx.msk [tilespmem:v22+s6+$0x0], $0xffff  }
0x61: {  	s19 =	simm.s32 $0x1;
	v31 =	vadd.s32 s16, v0;
	v43 =	vor.u32 v23, v32;
	v36 =	vld.idx.msk [tilespmem:v21+s22+$0x0], $0xffff  }
0x62: {  	v22 =	vand.u32 $0x7F, v31;
	v31 =	vor.u32 v20, v32;
	v37 =	vld.idx.msk [tilespmem:v19+s17+$0x0], $0xffff;
	v19 =	vadd.s32 s19, v0  }
0x63: {  	v41 =	vld.idx.msk [tilespmem:v29+s6+$0x0], $0xffff;
	v38 =	vand.u32 $0x7F, v19;
	v29 =	vor.u32 v24, v22  }
0x64: {  	s21 =	simm.s32 $0xD;
	s16 =	simm.s32 $0xB;
	v40 =	vld.idx.msk [tilespmem:v30+s6+$0x0], $0xffff;
	v19 =	vor.u32 v24, v38  }
0x65: {  	v39 =	vadd.s32 s21, v0;
	v50 =	vadd.s32 s16, v0;
	v44 =	vld.idx.msk [tilespmem:v33+s6+$0x0], $0xffff;
	v30 =	vor.u32 v23, v38  }
0x66: {  	s20 =	simm.s32 $0x7;
	v32 =	vand.u32 $0x7F, v39;
	v39 =	vand.u32 $0x7F, v50;
	v50 =	vld.idx.msk [tilespmem:v43+s17+$0x0], $0xffff;
	v62 =	vor.u32 v23, v22  }
0x67: {  	v45 =	vimm.f32 $0.0e+00;
	v63 =	vadd.s32 s20, v0;
	s28 =	simm.s32 $0x9;
	v38 =	vor.u32 v20, v38;
	v46 =	vld.idx.msk [tilespmem:v31+s6+$0x0], $0xffff  }
0x68: {  	s15 =	simm.s32 $0xE;
	s30 =	simm.s32 $0xA;
	v53 =	vadd.s32 s28, v0;
	v58 =	vand.u32 $0x7F, v63;
	v35 =	vor.u32 v20, v22;
	v48 =	vld.idx.msk [tilespmem:v29+s22+$0x0], $0xffff  }
0x69: {  	v42 =	vadd.s32 s15, v0;
	v54 =	vadd.s32 s30, v0;
	v55 =	vor.u32 v23, v25;
	v52 =	vld.idx.msk [tilespmem:v19+s22+$0x0], $0xffff  }
0x6a: {  	s9 =	simm.s32 $0x8;
	v60 =	vor.u32 v23, v28;
	s19 =	simm.s32 $0xC;
	v43 =	vand.u32 $0x7F, v53;
	v22 =	vor.u32 v24, v25;
	v56 =	vld.idx.msk [tilespmem:v30+s17+$0x0], $0xffff  }
0x6b: {  	v51 =	vadd.s32 s19, v0;
	v25 =	vor.u32 v24, v28;
	v31 =	vadd.s32 s9, v0;
	v59 =	vld.idx.msk [tilespmem:v62+s17+$0x0], $0xffff  }
0x6c: {  	v28 =	vor.u32 v24, v27;
	v33 =	vand.u32 $0x7F, v51;
	v57 =	vand.u32 $0x7F, v31;
	v38 =	vld.idx.msk [tilespmem:v38+s6+$0x0], $0xffff  }
0x6d: {  	v47 =	vld.idx.msk [tilespmem:v35+s6+$0x0], $0xffff;
	v35 =	vand.u32 $0x7F, v42;
	v42 =	vand.u32 $0x7F, v54;
	v30 =	vadd.f32 v37, v36  }
0x6e: {  	v53 =	vld.idx.msk [tilespmem:v55+s17+$0x0], $0xffff;
	v31 =	vor.u32 v24, v58;
	v36 =	vor.u32 v23, v27;
	v54 =	vor.u32 v20, v57  }
0x6f: {  	v51 =	vld.idx.msk [tilespmem:v22+s22+$0x0], $0xffff;
	v27 =	vor.u32 v24, v57;
	v30 =	vadd.f32 v34, v30;
	v37 =	vadd.f32 v56, v52  }
0x70: {  	v55 =	vld.idx.msk [tilespmem:v25+s22+$0x0], $0xffff;
	v52 =	vor.u32 v23, v58;
	v56 =	vor.u32 v23, v57;
	v57 =	vadd.f32 v59, v48  }
0x71: {  	v59 =	vld.idx.msk [tilespmem:v60+s17+$0x0], $0xffff;
	v60 =	vmul.f32 v30, v30;
	v58 =	vor.u32 v20, v58;
	v37 =	vadd.f32 v38, v37  }
0x72: {  	v61 =	vld.idx.msk [tilespmem:v28+s22+$0x0], $0xffff;
	v48 =	vor.u32 v20, v35;
	v34 =	vadd.f32 v47, v57;
	v38 =	vadd.f32 v50, v49  }
0x73: {  	v47 =	vld.idx.msk [tilespmem:v36+s17+$0x0], $0xffff;
	v50 =	vadd.f32 v30, v45;
	v45 =	vadd.f32 v60, v45;
	v57 =	vmul.f32 v37, v37  }
0x74: {  	v60 =	vld.idx.msk [tilespmem:v31+s22+$0x0], $0xffff;
	v49 =	vor.u32 v20, v32;
	v36 =	vadd.f32 v46, v38;
	v38 =	vadd.f32 v53, v51  }
0x75: {  	v46 =	vadd.f32 v37, v50;
	v63 =	vmul.f32 v34, v34;
	v62 =	vld.idx.msk [tilespmem:v52+s17+$0x0], $0xffff;
	v45 =	vadd.f32 v57, v45  }
0x76: {  	v50 =	vor.u32 v20, v33;
	v38 =	vadd.f32 v44, v38;
	v57 =	vadd.f32 v59, v55  }
0x77: {  	v51 =	vld.idx.msk [tilespmem:v58+s6+$0x0], $0xffff;
	v46 =	vadd.f32 v34, v46;
	v59 =	vmul.f32 v36, v36;
	v45 =	vadd.f32 v63, v45  }
0x78: {  	v53 =	vor.u32 v20, v42;
	v47 =	vadd.f32 v47, v61;
	v40 =	vadd.f32 v40, v57  }
0x79: {  	v44 =	vld.idx.msk [tilespmem:v54+s6+$0x0], $0xffff;
	v61 =	vadd.f32 v36, v46;
	v63 =	vmul.f32 v38, v38;
	v45 =	vadd.f32 v59, v45  }
0x7a: {  	v52 =	vor.u32 v20, v39;
	v46 =	vld.idx.msk [tilespmem:v27+s22+$0x0], $0xffff;
	v41 =	vadd.f32 v41, v47;
	v54 =	vadd.f32 v62, v60  }
0x7b: {  	s11 =	simm.s32 $0x10;
	v47 =	vld.idx.msk [tilespmem:v56+s17+$0x0], $0xffff;
	v56 =	vadd.f32 v38, v61;
	v57 =	vmul.f32 v40, v40;
	v55 =	vadd.f32 v63, v45  }
.LBB2_7:
0x7c: {  	p2 =	slt.u32 s11, $0x78;
	v58 =	vor.u32 v24, v42;
	v59 =	vor.u32 v24, v39;
	v45 =	vld.idx.msk [tilespmem:v48+s6+$0x0], $0xffff;
	v48 =	vadd.f32 v51, v54  }
0x7d: {  	v54 =	vld.idx.msk [tilespmem:v49+s6+$0x0], $0xffff;
	v49 =	vadd.f32 v40, v56;
	v51 =	vadd.f32 v57, v55;
	v55 =	vmul.f32 v41, v41  }
0x7e: {  	v56 =	vor.u32 v23, v43;
	v57 =	vld.idx.msk [tilespmem:v50+s6+$0x0], $0xffff;
	[tilespmem:v19+s22+$0x0] =	vst.idx.msk $0xffff, v37;
	v19 =	vor.u32 v24, v43  }
0x7f: {  	s15 =	sadd.s32 $0x7, s9;
	s9 =	smov.u32 s11;
	v50 =	vld.idx.msk [tilespmem:v52+s6+$0x0], $0xffff;
	v37 =	vadd.f32 v41, v49;
	v49 =	vadd.f32 v55, v51;
	v51 =	vmul.f32 v48, v48  }
0x80: {  	v42 =	vor.u32 v23, v42;
	v52 =	vadd.s32 s11, v0;
	v55 =	vadd.s32 s15, v0;
	v53 =	vld.idx.msk [tilespmem:v53+s6+$0x0], $0xffff;
	[tilespmem:v29+s22+$0x0] =	vst.idx.msk $0xffff, v34  }
0x81: {  	s16 =	sadd.s32 $0x6, s11;
	s15 =	sadd.s32 $0x5, s11;
	v29 =	vor.u32 v20, v43;
	v60 =	vld.idx.msk [tilespmem:v59+s22+$0x0], $0xffff;
	v61 =	vadd.f32 v48, v37;
	v49 =	vadd.f32 v51, v49  }
0x82: {  	s19 =	sadd.s32 $0x3, s11;
	s20 =	sadd.s32 $0x4, s11;
	v34 =	vadd.s32 s15, v0;
	v43 =	vor.u32 v23, v39;
	v37 =	vadd.s32 s16, v0;
	v51 =	vld.idx.msk [tilespmem:v58+s22+$0x0], $0xffff;
	[tilespmem:v26+s22+$0x0] =	vst.idx.msk $0xffff, v36  }
0x83: {  	s15 =	sadd.s32 $0x1, s11;
	s16 =	sadd.s32 $0x2, s11;
	v26 =	vadd.s32 s19, v0;
	v36 =	vadd.s32 s20, v0;
	v62 =	vld.idx.msk [tilespmem:v19+s22+$0x0], $0xffff;
	[tilespmem:v22+s22+$0x0] =	vst.idx.msk $0xffff, v38;
	v22 =	vor.u32 v24, v33  }
0x84: {  	v1 =	vor.u32 v23, v33;
	v63 =	vadd.s32 s16, v0;
	v38 =	vadd.s32 s15, v0;
	v56 =	vld.idx.msk [tilespmem:v56+s17+$0x0], $0xffff;
	[tilespmem:v25+s22+$0x0] =	vst.idx.msk $0xffff, v40  }
0x85: {  	v55 =	vand.u32 $0x7F, v55;
	v40 =	vand.u32 $0x7F, v52;
	v25 =	vor.u32 v24, v32;
	v52 =	vld.idx.msk [tilespmem:v42+s17+$0x0], $0xffff;
	[tilespmem:v28+s22+$0x0] =	vst.idx.msk $0xffff, v41  }
0x86: {  	v18 =	vor.u32 v23, v32;
	v32 =	vand.u32 $0x7F, v34;
	v41 =	vand.u32 $0x7F, v37;
	v37 =	vld.idx.msk [tilespmem:v29+s6+$0x0], $0xffff;
	[tilespmem:v31+s22+$0x0] =	vst.idx.msk $0xffff, v48  }
0x87: {  	v39 =	vand.u32 $0x7F, v26;
	v33 =	vand.u32 $0x7F, v36;
	v28 =	vor.u32 v24, v35;
	v36 =	vld.idx.msk [tilespmem:v43+s17+$0x0], $0xffff;
	[tilespmem:v21+s22+$0x0] =	vst.idx.msk $0xffff, v30  }
0x88: {  	v42 =	vand.u32 $0x7F, v63;
	v35 =	vor.u32 v23, v35;
	v29 =	vmovc v58;
	v21 =	vadd.f32 v47, v46;
	v46 =	vld.idx.msk [tilespmem:v22+s22+$0x0], $0xffff  }
0x89: {  	v26 =	vmovc v59;
	v31 =	vor.u32 v24, v55;
	v47 =	vor.u32 v20, v40;
	v43 =	vand.u32 $0x7F, v38;
	v1 =	vld.idx.msk [tilespmem:v1+s17+$0x0], $0xffff  }
0x8a: {  	v38 =	vor.u32 v23, v55;
	v30 =	vadd.f32 v44, v21;
	v21 =	vadd.f32 v56, v62;
	v44 =	vld.idx.msk [tilespmem:v25+s22+$0x0], $0xffff  }
0x8b: {  	v58 =	vor.u32 v23, v40;
	v56 =	vor.u32 v24, v40;
	v34 =	vadd.f32 v52, v51;
	v18 =	vld.idx.msk [tilespmem:v18+s17+$0x0], $0xffff  }
0x8c: {  	v40 =	vmul.f32 v30, v30;
	v37 =	vadd.f32 v37, v21;
	v21 =	vor.u32 v20, v55;
	v59 =	vld.idx.msk [tilespmem:v28+s22+$0x0], $0xffff  }
0x8d: {  	v48 =	vor.u32 v20, v41;
	v34 =	vadd.f32 v53, v34;
	v36 =	vadd.f32 v36, v60;
	v53 =	vld.idx.msk [tilespmem:v35+s17+$0x0], $0xffff  }
0x8e: {  	v61 =	vadd.f32 v30, v61;
	v40 =	vadd.f32 v40, v49;
	v51 =	vmul.f32 v37, v37;
	v55 =	vld.idx.msk [tilespmem:v31+s22+$0x0], $0xffff  }
0x8f: {  	v49 =	vor.u32 v20, v32;
	v36 =	vadd.f32 v50, v36;
	v1 =	vadd.f32 v1, v46;
	v60 =	vld.idx.msk [tilespmem:v38+s17+$0x0], $0xffff  }
0x90: {  	v35 =	vmovc v41;
	v46 =	vadd.f32 v37, v61;
	v52 =	vmul.f32 v34, v34;
	v40 =	vadd.f32 v51, v40  }
0x91: {  	v50 =	vor.u32 v20, v33;
	v38 =	vadd.f32 v57, v1;
	v1 =	vadd.f32 v18, v44;
	v51 =	vld.idx.msk [tilespmem:v21+s6+$0x0], $0xffff  }
.Ltmp2:
0x92: {  	v18 =	vadd.f32 v34, v46;
	v46 =	vmul.f32 v36, v36;
	v41 =	vadd.f32 v52, v40;
	v21 =	vmovc v27;
	(pc) =	sbr.rel @p2 .LBB2_7-.Ltmp2, $4  }
0x93: {  	v52 =	vor.u32 v20, v39;
	v27 =	vmovc v56;
	v40 =	vadd.f32 v54, v1;
	v1 =	vadd.f32 v53, v59  }
0x94: {  	v18 =	vadd.f32 v36, v18;
	v59 =	vmul.f32 v38, v38;
	v57 =	vadd.f32 v46, v41;
	v44 =	vld.idx.msk [tilespmem:v47+s6+$0x0], $0xffff  }
0x95: {  	v53 =	vor.u32 v20, v42;
	v41 =	vadd.f32 v45, v1;
	v54 =	vadd.f32 v60, v55;
	v46 =	vld.idx.msk [tilespmem:v56+s22+$0x0], $0xffff  }
0x96: {  	s11 =	sadd.s32 $0x8, s11;
	v56 =	vadd.f32 v38, v18;
	v55 =	vadd.f32 v59, v57;
	v57 =	vmul.f32 v40, v40;
	v47 =	vld.idx.msk [tilespmem:v58+s17+$0x0], $0xffff  }
0x97: {  	_ =	sdelay $0x3  }
0x98: {  	v1 =	vor.u32 v24, v39;
	v18 =	vld.idx.msk [tilespmem:v48+s6+$0x0], $0xffff  }
0x99: {  	v45 =	vor.u32 v24, v42;
	v48 =	vld.idx.msk [tilespmem:v49+s6+$0x0], $0xffff  }
0x9a: {  	v49 =	vor.u32 v24, v43;
	v50 =	vld.idx.msk [tilespmem:v50+s6+$0x0], $0xffff  }
0x9b: {  	v58 =	vor.u32 v23, v43;
	v52 =	vld.idx.msk [tilespmem:v52+s6+$0x0], $0xffff  }
0x9c: {  	v42 =	vor.u32 v23, v42;
	v53 =	vld.idx.msk [tilespmem:v53+s6+$0x0], $0xffff  }
0x9d: {  	v43 =	vor.u32 v20, v43;
	v59 =	vld.idx.msk [tilespmem:v1+s22+$0x0], $0xffff  }
0x9e: {  	v39 =	vor.u32 v23, v39;
	v60 =	vld.idx.msk [tilespmem:v45+s22+$0x0], $0xffff  }
0x9f: {  	v62 =	vor.u32 v24, v33;
	v33 =	vor.u32 v23, v33;
	v56 =	vadd.f32 v40, v56;
	v61 =	vld.idx.msk [tilespmem:v49+s22+$0x0], $0xffff  }
0xa0: {  	v63 =	vmul.f32 v41, v41;
	v55 =	vadd.f32 v57, v55;
	v58 =	vld.idx.msk [tilespmem:v58+s17+$0x0], $0xffff  }
0xa1: {  	v51 =	vadd.f32 v51, v54;
	s9 =	sadd.s32 $0x7, s9;
	v54 =	vadd.f32 v41, v56;
	v56 =	vor.u32 v24, v32;
	v42 =	vld.idx.msk [tilespmem:v42+s17+$0x0], $0xffff  }
0xa2: {  	v57 =	vadd.s32 s9, v0;
	v55 =	vadd.f32 v63, v55;
	v32 =	vor.u32 v23, v32;
	v43 =	vld.idx.msk [tilespmem:v43+s6+$0x0], $0xffff  }
0xa3: {  	v63 =	vor.u32 v24, v35;
	v35 =	vor.u32 v23, v35;
	v46 =	vadd.f32 v47, v46;
	v39 =	vld.idx.msk [tilespmem:v39+s17+$0x0], $0xffff  }
0xa4: {  	v57 =	vand.u32 $0x7F, v57;
	v47 =	vmul.f32 v51, v51;
	v54 =	vadd.f32 v51, v54;
	v33 =	vld.idx.msk [tilespmem:v33+s17+$0x0], $0xffff  }
0xa5: {  	v23 =	vor.u32 v23, v57;
	v44 =	vadd.f32 v44, v46;
	v46 =	vld.idx.msk [tilespmem:v62+s22+$0x0], $0xffff;
	v58 =	vadd.f32 v58, v61  }
0xa6: {  	v24 =	vor.u32 v24, v57;
	v47 =	vadd.f32 v47, v55;
	v55 =	vld.idx.msk [tilespmem:v56+s22+$0x0], $0xffff;
	v42 =	vadd.f32 v42, v60  }
0xa7: {  	v32 =	vld.idx.msk [tilespmem:v32+s17+$0x0], $0xffff;
	v54 =	vadd.f32 v44, v54;
	v60 =	vmul.f32 v44, v44;
	v43 =	vadd.f32 v43, v58  }
0xa8: {  	v20 =	vor.u32 v20, v57;
	v35 =	vld.idx.msk [tilespmem:v35+s17+$0x0], $0xffff;
	v39 =	vadd.f32 v39, v59;
	v42 =	vadd.f32 v53, v42  }
0xa9: {  	v53 =	vld.idx.msk [tilespmem:v63+s22+$0x0], $0xffff;
	v47 =	vadd.f32 v60, v47;
	v61 =	vmul.f32 v43, v43;
	v54 =	vadd.f32 v43, v54  }
0xaa: {  	v23 =	vld.idx.msk [tilespmem:v23+s17+$0x0], $0xffff;
	v33 =	vadd.f32 v33, v46;
	v39 =	vadd.f32 v52, v39  }
0xab: {  	v58 =	vld.idx.msk [tilespmem:v24+s22+$0x0], $0xffff;
	v59 =	vmul.f32 v42, v42;
	v47 =	vadd.f32 v61, v47;
	v54 =	vadd.f32 v42, v54  }
0xac: {  	v33 =	vadd.f32 v50, v33;
	v32 =	vadd.f32 v32, v55  }
0xad: {  	v20 =	vld.idx.msk [tilespmem:v20+s6+$0x0], $0xffff;
	v60 =	vmul.f32 v39, v39;
	v47 =	vadd.f32 v59, v47;
	v61 =	vadd.f32 v39, v54  }
0xae: {  	v32 =	vadd.f32 v48, v32;
	v35 =	vadd.f32 v35, v53  }
0xaf: {  	v55 =	vmul.f32 v33, v33;
	v47 =	vadd.f32 v60, v47;
	v57 =	vadd.f32 v33, v61  }
0xb0: {  	v23 =	vadd.f32 v23, v58;
	v18 =	vadd.f32 v18, v35  }
0xb1: {  	v59 =	vmul.f32 v32, v32;
	v58 =	vadd.f32 v55, v47;
	v60 =	vadd.f32 v32, v57  }
0xb2: {  	v20 =	vadd.f32 v20, v23  }
0xb3: {  	v61 =	vmul.f32 v18, v18;
	v23 =	vadd.f32 v59, v58;
	v48 =	vadd.f32 v18, v60;
	_ =	sdelay $0x1  }
0xb4: {  	v50 =	vmul.f32 v20, v20;
	v23 =	vadd.f32 v61, v23;
	v46 =	vadd.f32 v20, v48;
	_ =	sdelay $0x1  }
0xb5: {  	v23 =	vadd.f32 v50, v23;
	v52 =	vmul.f32 $7.812500000e-03, v46;
	_ =	sdelay $0x1  }
0xb6: {  	v23 =	vmul.f32 $7.812500000e-03, v23;
	v46 =	vmul.f32 v52, v52;
	_ =	sdelay $0x1  }
0xb7: {  	v23 =	vsub.f32 v23, v46;
	_ =	sdelay $0x1  }
0xb8: {  	v23 =	vadd.f32 $9.999999960e-13, v23;
	_ =	sdelay $0x1  }
0xb9: {  	v53 =	vshrl.u32 v23, $0x1;
	v23 =	vmul.f32 $5.000000000e-01, v23  }
0xba: {  	v46 =	vsub.s32 $0x5F3759DF, v53  }
0xbb: {  	v54 =	vmul.f32 v46, v23;
	_ =	sdelay $0x1  }
0xbc: {  	v47 =	vmul.f32 v46, v54;
	_ =	sdelay $0x1  }
0xbd: {  	v47 =	vsub.f32 $1.500000000e+00, v47;
	_ =	sdelay $0x1  }
0xbe: {  	[tilespmem:v19+s22+$0x0] =	vst.idx.msk $0xffff, v37;
	v19 =	vmul.f32 v46, v47  }
0xbf: {  	[tilespmem:v29+s22+$0x0] =	vst.idx.msk $0xffff, v34  }
0xc0: {  	[tilespmem:v26+s22+$0x0] =	vst.idx.msk $0xffff, v36;
	v26 =	vmul.f32 v19, v23  }
0xc1: {  	[tilespmem:v22+s22+$0x0] =	vst.idx.msk $0xffff, v38  }
0xc2: {  	[tilespmem:v25+s22+$0x0] =	vst.idx.msk $0xffff, v40;
	v22 =	vmul.f32 v26, v19  }
0xc3: {  	[tilespmem:v28+s22+$0x0] =	vst.idx.msk $0xffff, v41  }
0xc4: {  	[tilespmem:v21+s22+$0x0] =	vst.idx.msk $0xffff, v30;
	v22 =	vsub.f32 $1.500000000e+00, v22  }
0xc5: {  	[tilespmem:v31+s22+$0x0] =	vst.idx.msk $0xffff, v51  }
0xc6: {  	[tilespmem:v27+s22+$0x0] =	vst.idx.msk $0xffff, v44;
	v19 =	vmul.f32 v22, v19  }
0xc7: {  	[tilespmem:v49+s22+$0x0] =	vst.idx.msk $0xffff, v43  }
0xc8: {  	[tilespmem:v1+s22+$0x0] =	vst.idx.msk $0xffff, v39;
	v1 =	vmul.f32 v19, v23  }
0xc9: {  	[tilespmem:v45+s22+$0x0] =	vst.idx.msk $0xffff, v42  }
0xca: {  	[tilespmem:v62+s22+$0x0] =	vst.idx.msk $0xffff, v33;
	v1 =	vmul.f32 v1, v19  }
0xcb: {  	[tilespmem:v56+s22+$0x0] =	vst.idx.msk $0xffff, v32  }
0xcc: {  	[tilespmem:v63+s22+$0x0] =	vst.idx.msk $0xffff, v18;
	v1 =	vsub.f32 $1.500000000e+00, v1  }
0xcd: {  	[tilespmem:v24+s22+$0x0] =	vst.idx.msk $0xffff, v20  }
0xce: {  	v18 =	vld [tilespmem:s3+$0xFFFFFF80];
	v30 =	vmul.f32 v1, v19;
	v1 =	vsub.f32 $0.0e+00, v52  }
0xcf: {  	s15 =	simm.s32 $0x1  }
0xd0: {  	v21 =	vld [tilespmem:s3+$0x80];
	v32 =	vmul.f32 v30, v1;
	v1 =	vmov s15  }
0xd1: {  	s16 =	simm.s32 $0x3;
	v19 =	vperm.xlane v30, v1  }
0xd2: {  	v20 =	vperm.xlane v32, v1;
	v1 =	vmov s16  }
0xd3: {  	v18 =	vmul.f32 v18, v19;
	v31 =	vperm.xlane v30, v1;
	_ =	sdelay $0x1  }
0xd4: {  	v23 =	vperm.xlane v32, v1;
	v18 =	vadd.f32 v18, v20;
	v1 =	vmul.f32 v21, v31  }
0xd5: {  	v26 =	vld [tilespmem:s3+$0xFFFFFF00]  }
0xd6: {  	s19 =	simm.s32 $0x2;
	s11 =	simm.s32 $0x0;
	v24 =	vld [tilespmem:s3+$0x0];
	v18 =	vmul.f32 v18, v2;
	v1 =	vadd.f32 v1, v23  }
0xd7: {  	v25 =	vmov s11;
	v22 =	vmov s19  }
0xd8: {  	v29 =	vperm.xlane v30, v25;
	v18 =	vadd.f32 v18, v10;
	v1 =	vmul.f32 v1, v2  }
0xd9: {  	v21 =	vperm.xlane v30, v22  }
0xda: {  	v25 =	vperm.xlane v32, v25;
	v26 =	vmul.f32 v26, v29;
	[tilespmem:s0+$0xFFFFFF80] =	vst v18;
	v1 =	vadd.f32 v1, v10  }
0xdb: {  	v22 =	vperm.xlane v32, v22;
	v18 =	vmul.f32 v24, v21;
	v24 =	vld [tilespmem:s3+$0xFFFFFF90]  }
0xdc: {  	[tilespmem:s0+$0x80] =	vst v1  }
0xdd: {  	v26 =	vadd.f32 v26, v25;
	v1 =	vadd.f32 v18, v22;
	v18 =	vld [tilespmem:s3+$0x90];
	_ =	sdelay $0x1  }
0xde: {  	v26 =	vmul.f32 v26, v2  }
0xdf: {  	v24 =	vmul.f32 v24, v19  }
0xe0: {  	v26 =	vadd.f32 v26, v10  }
0xe1: {  	v1 =	vmul.f32 v1, v2;
	v24 =	vadd.f32 v24, v20;
	v18 =	vmul.f32 v18, v31  }
0xe2: {  	[tilespmem:s0+$0xFFFFFF00] =	vst v26  }
0xe3: {  	v26 =	vld [tilespmem:s3+$0xFFFFFF10];
	v1 =	vadd.f32 v1, v10;
	v24 =	vmul.f32 v24, v3;
	v18 =	vadd.f32 v18, v23;
	_ =	sdelay $0x1  }
0xe4: {  	[tilespmem:s0+$0x0] =	vst v1;
	v24 =	vadd.f32 v24, v11;
	v18 =	vmul.f32 v18, v3  }
0xe5: {  	v1 =	vld [tilespmem:s3+$0x10]  }
0xe6: {  	[tilespmem:s0+$0xFFFFFF90] =	vst v24;
	v18 =	vadd.f32 v18, v11  }
0xe7: {  	v26 =	vmul.f32 v26, v29;
	v24 =	vld [tilespmem:s3+$0xFFFFFFA0]  }
0xe8: {  	[tilespmem:s0+$0x90] =	vst v18  }
0xe9: {  	v26 =	vadd.f32 v26, v25;
	v18 =	vld [tilespmem:s3+$0xA0]  }
0xea: {  	v1 =	vmul.f32 v1, v21  }
0xeb: {  	v26 =	vmul.f32 v26, v3  }
0xec: {  	v1 =	vadd.f32 v1, v22;
	v24 =	vmul.f32 v24, v19  }
0xed: {  	v26 =	vadd.f32 v26, v11  }
0xee: {  	v1 =	vmul.f32 v1, v3;
	v24 =	vadd.f32 v24, v20;
	v18 =	vmul.f32 v18, v31;
	_ =	sdelay $0x1  }
0xef: {  	[tilespmem:s0+$0xFFFFFF10] =	vst v26;
	v1 =	vadd.f32 v1, v11;
	v24 =	vmul.f32 v24, v4;
	v18 =	vadd.f32 v18, v23  }
0xf0: {  	v26 =	vld [tilespmem:s3+$0xFFFFFF20]  }
0xf1: {  	[tilespmem:s0+$0x10] =	vst v1;
	v24 =	vadd.f32 v24, v12;
	v18 =	vmul.f32 v18, v4  }
0xf2: {  	v1 =	vld [tilespmem:s3+$0x20]  }
0xf3: {  	[tilespmem:s0+$0xFFFFFFA0] =	vst v24;
	v18 =	vadd.f32 v18, v12  }
0xf4: {  	s11 =	sadd.s32 $0x200, s3;
	v24 =	vld [tilespmem:s3+$0xFFFFFFB0]  }
0xf5: {  	v26 =	vmul.f32 v26, v29;
	[tilespmem:s0+$0xA0] =	vst v18;
	v18 =	vld [tilespmem:s11+$0xFFFFFF80]  }
0xf6: {  	s20 =	simm.s32 $0x5;
	v28 =	vld [tilespmem:s3+$0xB0]  }
0xf7: {  	v55 =	vmov s20;
	v26 =	vadd.f32 v26, v25;
	v1 =	vmul.f32 v1, v21  }
0xf8: {  	v27 =	vperm.xlane v30, v55  }
0xf9: {  	v26 =	vmul.f32 v26, v4;
	v1 =	vadd.f32 v1, v22;
	v56 =	vmul.f32 v24, v19  }
0xfa: {  	v57 =	vld [tilespmem:s11+$0x0];
	v24 =	vperm.xlane v32, v55;
	v18 =	vmul.f32 v18, v27  }
0xfb: {  	s21 =	simm.s32 $0x6;
	s15 =	simm.s32 $0x4;
	v26 =	vadd.f32 v26, v12;
	v1 =	vmul.f32 v1, v4;
	v28 =	vmul.f32 v28, v31  }
0xfc: {  	v58 =	vmov s21;
	v45 =	vmov s15;
	v18 =	vadd.f32 v18, v24  }
0xfd: {  	v60 =	vld [tilespmem:s11+$0x80];
	[tilespmem:s0+$0xFFFFFF20] =	vst v26;
	v1 =	vadd.f32 v1, v12;
	v61 =	vadd.f32 v28, v23;
	v28 =	vperm.xlane v30, v58  }
0xfe: {  	s30 =	simm.s32 $0x7;
	v26 =	vperm.xlane v32, v58;
	v38 =	vld [tilespmem:s3+$0xFFFFFF30];
	v34 =	vadd.f32 v56, v20;
	v18 =	vmul.f32 v18, v2  }
0xff: {  	v39 =	vld [tilespmem:s11+$0xFFFFFF00];
	[tilespmem:s0+$0x20] =	vst v1;
	v1 =	vmov s30;
	v62 =	vmul.f32 v61, v5;
	v63 =	vmul.f32 v57, v28  }
0x100: {  	v41 =	vld [tilespmem:s3+$0x30];
	v33 =	vperm.xlane v30, v1;
	v36 =	vperm.xlane v32, v1;
	v18 =	vadd.f32 v18, v10  }
0x101: {  	s15 =	sadd.s32 $0x200, s0;
	v59 =	vmul.f32 v34, v5;
	v1 =	vadd.f32 v62, v13;
	v46 =	vadd.f32 v63, v26  }
0x102: {  	v34 =	vperm.xlane v30, v45;
	v47 =	vmul.f32 v60, v33;
	[tilespmem:s15+$0xFFFFFF80] =	vst v18  }
0x103: {  	v48 =	vmul.f32 v38, v29;
	v18 =	vadd.f32 v59, v13;
	v49 =	vld [tilespmem:s11+$0xFFFFFF90];
	[tilespmem:s0+$0xB0] =	vst v1;
	v1 =	vmul.f32 v46, v2  }
0x104: {  	v35 =	vperm.xlane v32, v45;
	v39 =	vmul.f32 v39, v34;
	v40 =	vadd.f32 v47, v36;
	v43 =	vld [tilespmem:s3+$0xC0]  }
0x105: {  	v41 =	vmul.f32 v41, v21;
	[tilespmem:s0+$0xFFFFFFB0] =	vst v18;
	v18 =	vadd.f32 v48, v25;
	v1 =	vadd.f32 v1, v10  }
0x106: {  	v39 =	vadd.f32 v39, v35;
	v40 =	vmul.f32 v40, v2;
	v50 =	vld [tilespmem:s3+$0xFFFFFFC0]  }
0x107: {  	v41 =	vadd.f32 v41, v22;
	v18 =	vmul.f32 v18, v5;
	[tilespmem:s15+$0x0] =	vst v1  }
0x108: {  	v39 =	vmul.f32 v39, v2;
	v1 =	vadd.f32 v40, v10;
	v38 =	vmul.f32 v49, v27;
	v51 =	vld [tilespmem:s11+$0x10]  }
0x109: {  	v41 =	vmul.f32 v41, v5;
	v18 =	vadd.f32 v18, v13;
	v52 =	vmul.f32 v43, v31  }
0x10a: {  	[tilespmem:s15+$0x80] =	vst v1;
	v1 =	vadd.f32 v39, v10;
	v38 =	vadd.f32 v38, v24  }
0x10b: {  	v53 =	vadd.f32 v41, v13;
	v37 =	vmul.f32 v50, v19;
	v54 =	vld [tilespmem:s11+$0x90];
	[tilespmem:s0+$0xFFFFFF30] =	vst v18;
	v18 =	vadd.f32 v52, v23  }
0x10c: {  	v55 =	vld [tilespmem:s3+$0xFFFFFF40];
	[tilespmem:s15+$0xFFFFFF00] =	vst v1;
	v38 =	vmul.f32 v38, v3  }
0x10d: {  	[tilespmem:s0+$0x30] =	vst v53;
	v1 =	vadd.f32 v37, v20;
	v57 =	vld [tilespmem:s11+$0xFFFFFF10];
	v56 =	vmul.f32 v51, v28;
	v18 =	vmul.f32 v18, v6  }
0x10e: {  	v58 =	vld [tilespmem:s3+$0x40];
	v38 =	vadd.f32 v38, v11  }
0x10f: {  	v1 =	vmul.f32 v1, v6;
	v37 =	vadd.f32 v56, v26;
	v18 =	vadd.f32 v18, v14  }
0x110: {  	v41 =	vmul.f32 v54, v33;
	[tilespmem:s15+$0xFFFFFF90] =	vst v38  }
0x111: {  	v1 =	vadd.f32 v1, v14;
	v59 =	vmul.f32 v55, v29;
	v37 =	vmul.f32 v37, v3;
	v60 =	vld [tilespmem:s11+$0xFFFFFFA0];
	[tilespmem:s0+$0xC0] =	vst v18  }
0x112: {  	v18 =	vadd.f32 v41, v36;
	v39 =	vmul.f32 v57, v34;
	v61 =	vld [tilespmem:s3+$0xD0]  }
0x113: {  	[tilespmem:s0+$0xFFFFFFC0] =	vst v1;
	v1 =	vmul.f32 v58, v21;
	v38 =	vadd.f32 v59, v25;
	v37 =	vadd.f32 v37, v11  }
0x114: {  	v62 =	vld [tilespmem:s3+$0xFFFFFFD0];
	v18 =	vmul.f32 v18, v3;
	v39 =	vadd.f32 v39, v35  }
0x115: {  	v1 =	vadd.f32 v1, v22;
	v63 =	vmul.f32 v38, v6;
	[tilespmem:s15+$0x10] =	vst v37  }
0x116: {  	v18 =	vadd.f32 v18, v11;
	v39 =	vmul.f32 v39, v3;
	v45 =	vld [tilespmem:s11+$0x20];
	v42 =	vmul.f32 v60, v27  }
0x117: {  	v1 =	vmul.f32 v1, v6;
	v37 =	vadd.f32 v63, v14;
	v41 =	vmul.f32 v61, v31  }
0x118: {  	[tilespmem:s15+$0x90] =	vst v18;
	v18 =	vadd.f32 v39, v11;
	v46 =	vadd.f32 v42, v24  }
0x119: {  	v40 =	vmul.f32 v62, v19;
	v47 =	vld [tilespmem:s11+$0xA0];
	v1 =	vadd.f32 v1, v14;
	[tilespmem:s0+$0xFFFFFF40] =	vst v37;
	v48 =	vadd.f32 v41, v23  }
0x11a: {  	v49 =	vld [tilespmem:s3+$0xFFFFFF50];
	[tilespmem:s15+$0xFFFFFF10] =	vst v18;
	v18 =	vmul.f32 v46, v4  }
0x11b: {  	v50 =	vadd.f32 v40, v20;
	[tilespmem:s0+$0x40] =	vst v1;
	v51 =	vld [tilespmem:s11+$0xFFFFFF20];
	v1 =	vmul.f32 v45, v28;
	v37 =	vmul.f32 v48, v7  }
0x11c: {  	v52 =	vld [tilespmem:s3+$0x50];
	v18 =	vadd.f32 v18, v12  }
0x11d: {  	v39 =	vmul.f32 v50, v7;
	v1 =	vadd.f32 v1, v26;
	v37 =	vadd.f32 v37, v15  }
0x11e: {  	v42 =	vmul.f32 v47, v33;
	[tilespmem:s15+$0xFFFFFFA0] =	vst v18  }
0x11f: {  	v18 =	vadd.f32 v39, v15;
	v53 =	vmul.f32 v49, v29;
	v1 =	vmul.f32 v1, v4;
	v54 =	vld [tilespmem:s11+$0xFFFFFFB0];
	[tilespmem:s0+$0xD0] =	vst v37  }
0x120: {  	v55 =	vadd.f32 v42, v36;
	v38 =	vmul.f32 v51, v34;
	v56 =	vld [tilespmem:s3+$0xE0]  }
0x121: {  	[tilespmem:s0+$0xFFFFFFD0] =	vst v18;
	v18 =	vmul.f32 v52, v21;
	v39 =	vadd.f32 v53, v25;
	v1 =	vadd.f32 v1, v12  }
0x122: {  	v57 =	vld [tilespmem:s3+$0xFFFFFFE0];
	v37 =	vmul.f32 v55, v4;
	v38 =	vadd.f32 v38, v35  }
0x123: {  	v18 =	vadd.f32 v18, v22;
	[tilespmem:s15+$0x20] =	vst v1;
	v1 =	vmul.f32 v39, v7  }
0x124: {  	v37 =	vadd.f32 v37, v12;
	v38 =	vmul.f32 v38, v4;
	v58 =	vld [tilespmem:s11+$0x30];
	v59 =	vmul.f32 v54, v27  }
0x125: {  	v18 =	vmul.f32 v18, v7;
	v1 =	vadd.f32 v1, v15;
	v60 =	vmul.f32 v56, v31  }
0x126: {  	[tilespmem:s15+$0xA0] =	vst v37;
	v61 =	vadd.f32 v38, v12;
	v62 =	vadd.f32 v59, v24  }
0x127: {  	v40 =	vld [tilespmem:s11+$0xB0];
	v18 =	vadd.f32 v18, v15;
	v63 =	vmul.f32 v57, v19;
	[tilespmem:s0+$0xFFFFFF50] =	vst v1;
	v1 =	vadd.f32 v60, v23  }
0x128: {  	s28 =	sadd.s32 $0x200, s11;
	s20 =	smov.u32 s3;
	[tilespmem:s15+$0xFFFFFF20] =	vst v61;
	v43 =	vmul.f32 v62, v5;
	v37 =	vld [tilespmem:s3+$0xFFFFFF60]  }
0x129: {  	s19 =	smov.u32 s0;
	s16 =	simm.s32 $0x8;
	s9 =	smov.u32 s15;
	v38 =	vadd.f32 v63, v20;
	v41 =	vld [tilespmem:s11+$0xFFFFFF30];
	[tilespmem:s0+$0x50] =	vst v18;
	v42 =	vmul.f32 v58, v28;
	v39 =	vmul.f32 v1, v8  }
.LBB2_9:
0x12a: {  	v1 =	vld [tilespmem:s28+$0xFFFFFF80];
	p2 =	slt.u32 s16, $0xC;
	v18 =	vadd.f32 v43, v13;
	s30 =	smov.u32 s16;
	s16 =	sadd.s32 $0x4, s16  }
0x12b: {  	s21 =	sadd.s32 $0x1, s30;
	v39 =	vadd.f32 v39, v16  }
0x12c: {  	v38 =	vmul.f32 v38, v8;
	v43 =	vmov s21;
	[tilespmem:s15+$0xFFFFFFB0] =	vst v18;
	v18 =	vmul.f32 v40, v33;
	v40 =	vld [tilespmem:s20+$0x60]  }
0x12d: {  	v42 =	vadd.f32 v42, v26;
	v44 =	vperm.xlane v30, v43;
	v45 =	vld [tilespmem:s11+$0xFFFFFFC0];
	v37 =	vmul.f32 v37, v29;
	[tilespmem:s19+$0xE0] =	vst v39  }
0x12e: {  	s21 =	sadd.s32 $0x2, s30;
	v39 =	vmov s30;
	v43 =	vperm.xlane v32, v43;
	v46 =	vld [tilespmem:s28+$0x80];
	v18 =	vadd.f32 v18, v36  }
0x12f: {  	v38 =	vadd.f32 v38, v16;
	v47 =	vmov s21;
	v1 =	vmul.f32 v1, v44;
	v48 =	vld [tilespmem:s20+$0xF0]  }
0x130: {  	s21 =	sadd.s32 $0x3, s30;
	v49 =	vperm.xlane v30, v47;
	v41 =	vmul.f32 v41, v34;
	v37 =	vadd.f32 v37, v25;
	v50 =	vld [tilespmem:s28+$0x0]  }
0x131: {  	v47 =	vperm.xlane v32, v47;
	v1 =	vadd.f32 v1, v43;
	[tilespmem:s19+$0xFFFFFFE0] =	vst v38;
	v38 =	vmul.f32 v40, v21  }
0x132: {  	v41 =	vadd.f32 v41, v35;
	v40 =	vmov s21;
	v37 =	vmul.f32 v37, v8;
	v51 =	vld [tilespmem:s20+$0xFFFFFFF0]  }
0x133: {  	v52 =	vperm.xlane v32, v40;
	v1 =	vmul.f32 v1, v2;
	v38 =	vadd.f32 v38, v22  }
0x134: {  	v18 =	vmul.f32 v18, v5;
	v40 =	vperm.xlane v30, v40;
	v37 =	vadd.f32 v37, v16  }
0x135: {  	v53 =	vld [tilespmem:s28+$0xFFFFFF00];
	v1 =	vadd.f32 v1, v10;
	v50 =	vmul.f32 v50, v49;
	v38 =	vmul.f32 v38, v8  }
0x136: {  	s15 =	sadd.s32 $0x200, s15;
	v45 =	vmul.f32 v45, v27;
	v18 =	vadd.f32 v18, v13;
	v46 =	vmul.f32 v46, v40;
	[tilespmem:s19+$0xFFFFFF60] =	vst v37  }
0x137: {  	v31 =	vmul.f32 v48, v31;
	v37 =	vperm.xlane v30, v39;
	[tilespmem:s15+$0xFFFFFF80] =	vst v1;
	v1 =	vadd.f32 v50, v47;
	v50 =	vld [tilespmem:s20+$0xFFFFFF70]  }
0x138: {  	v46 =	vadd.f32 v46, v52;
	v38 =	vadd.f32 v38, v16;
	v48 =	vld [tilespmem:s28+$0xFFFFFF90];
	[tilespmem:s9+$0xB0] =	vst v18;
	v18 =	vmul.f32 v51, v19  }
0x139: {  	v45 =	vadd.f32 v45, v24;
	v23 =	vadd.f32 v31, v23;
	v19 =	vmovc v27;
	v1 =	vmul.f32 v1, v2;
	v51 =	vld [tilespmem:s11+$0xC0]  }
0x13a: {  	v39 =	vperm.xlane v32, v39;
	v31 =	vmul.f32 v53, v37;
	v18 =	vadd.f32 v18, v20;
	[tilespmem:s19+$0x60] =	vst v38  }
0x13b: {  	v45 =	vmul.f32 v45, v6;
	v27 =	vmovc v44;
	v38 =	vmul.f32 v46, v2;
	v1 =	vadd.f32 v1, v10;
	v46 =	vld [tilespmem:s20+$0x70];
	s20 =	smov.u32 s11;
	s11 =	smov.u32 s28  }
0x13c: {  	v41 =	vmul.f32 v41, v5;
	v23 =	vmul.f32 v23, v9;
	v20 =	vmovc v24;
	v31 =	vadd.f32 v31, v39  }
0x13d: {  	v42 =	vmul.f32 v42, v5;
	v24 =	vmovc v43;
	v38 =	vadd.f32 v38, v10;
	v29 =	vmul.f32 v50, v29  }
0x13e: {  	v50 =	vadd.f32 v23, v17;
	v31 =	vmul.f32 v31, v2;
	[tilespmem:s15+$0x0] =	vst v1;
	v1 =	vmul.f32 v51, v33  }
0x13f: {  	v43 =	vmul.f32 v48, v27;
	v44 =	vld [tilespmem:s28+$0x10];
	[tilespmem:s15+$0x80] =	vst v38;
	v38 =	vadd.f32 v41, v13;
	v41 =	vadd.f32 v42, v13  }
0x140: {  	v25 =	vadd.f32 v29, v25;
	v31 =	vadd.f32 v31, v10;
	v42 =	vld [tilespmem:s28+$0x90];
	v29 =	vmul.f32 v46, v21;
	[tilespmem:s19+$0xF0] =	vst v50  }
0x141: {  	v18 =	vmul.f32 v18, v9;
	v23 =	vmovc v36;
	v43 =	vadd.f32 v43, v24;
	v21 =	vmovc v28;
	v28 =	vmov v49  }
0x142: {  	v1 =	vadd.f32 v1, v23;
	v25 =	vmul.f32 v25, v9;
	[tilespmem:s9+$0xFFFFFF30] =	vst v38;
	v22 =	vadd.f32 v29, v22  }
0x143: {  	v36 =	vadd.f32 v45, v14;
	v18 =	vadd.f32 v18, v17;
	v29 =	vmul.f32 v43, v3;
	v38 =	vld [tilespmem:s20+$0xFFFFFF40];
	[tilespmem:s9+$0x30] =	vst v41  }
0x144: {  	v1 =	vmul.f32 v1, v6;
	v25 =	vadd.f32 v25, v17;
	[tilespmem:s15+$0xFFFFFF00] =	vst v31;
	v45 =	vmul.f32 v44, v28;
	v41 =	vld [tilespmem:s20+$0x40]  }
0x145: {  	v46 =	vadd.f32 v29, v11;
	v43 =	vld [tilespmem:s28+$0xFFFFFF10];
	v42 =	vmul.f32 v42, v40;
	[tilespmem:s19+$0xFFFFFFF0] =	vst v18;
	v18 =	vmul.f32 v22, v9  }
0x146: {  	v1 =	vadd.f32 v1, v14;
	v44 =	vadd.f32 v45, v47;
	[tilespmem:s19+$0xFFFFFF70] =	vst v25;
	v22 =	vmovc v26;
	v26 =	vmov v47  }
0x147: {  	v31 =	vmovc v33;
	v47 =	vadd.f32 v42, v52;
	[tilespmem:s9+$0xFFFFFFC0] =	vst v36;
	v18 =	vadd.f32 v18, v17;
	v36 =	vmov v52  }
0x148: {  	v33 =	vmovc v40;
	v29 =	vmov v34;
	[tilespmem:s15+$0xFFFFFF90] =	vst v46;
	v42 =	vmul.f32 v44, v3;
	v38 =	vmul.f32 v38, v34;
	v44 =	vld [tilespmem:s20+$0xFFFFFFD0]  }
0x149: {  	v25 =	vmovc v35;
	v34 =	vmov v37;
	v40 =	vld [tilespmem:s28+$0xFFFFFFA0];
	v45 =	vmul.f32 v47, v3;
	v41 =	vmul.f32 v41, v21;
	[tilespmem:s9+$0xC0] =	vst v1  }
0x14a: {  	v1 =	vmul.f32 v43, v34;
	v37 =	vadd.f32 v42, v11;
	v38 =	vadd.f32 v38, v25;
	v42 =	vld [tilespmem:s20+$0xD0];
	[tilespmem:s19+$0x70] =	vst v18;
	s19 =	smov.u32 s9;
	s9 =	smov.u32 s15  }
0x14b: {  	v35 =	vmov v39;
	v18 =	vadd.f32 v41, v22  }
0x14c: {  	v1 =	vadd.f32 v1, v35;
	[tilespmem:s15+$0x10] =	vst v37;
	v37 =	vadd.f32 v45, v11;
	v38 =	vmul.f32 v38, v6  }
0x14d: {  	v39 =	vld [tilespmem:s28+$0x20];
	v41 =	vmul.f32 v44, v19;
	v18 =	vmul.f32 v18, v6  }
0x14e: {  	v1 =	vmul.f32 v1, v3;
	v40 =	vmul.f32 v40, v27;
	[tilespmem:s15+$0x90] =	vst v37;
	v37 =	vadd.f32 v38, v14  }
0x14f: {  	v38 =	vld [tilespmem:s28+$0xA0];
	v41 =	vadd.f32 v41, v20;
	v18 =	vadd.f32 v18, v14;
	v42 =	vmul.f32 v42, v31  }
0x150: {  	v1 =	vadd.f32 v1, v11;
	v40 =	vadd.f32 v40, v24;
	[tilespmem:s19+$0xFFFFFF40] =	vst v37  }
0x151: {  	v37 =	vld [tilespmem:s20+$0xFFFFFF50];
	v41 =	vmul.f32 v41, v7;
	[tilespmem:s19+$0x40] =	vst v18;
	v18 =	vadd.f32 v42, v23  }
0x152: {  	[tilespmem:s15+$0xFFFFFF10] =	vst v1;
	v1 =	vmul.f32 v40, v4;
	v39 =	vmul.f32 v39, v28;
	v40 =	vld [tilespmem:s20+$0x50]  }
0x153: {  	v42 =	vld [tilespmem:s28+$0xFFFFFF20];
	v41 =	vadd.f32 v41, v15;
	v18 =	vmul.f32 v18, v7  }
0x154: {  	v1 =	vadd.f32 v1, v12;
	v39 =	vadd.f32 v39, v26;
	v38 =	vmul.f32 v38, v33  }
0x155: {  	[tilespmem:s19+$0xFFFFFFD0] =	vst v41;
	v18 =	vadd.f32 v18, v15  }
0x156: {  	[tilespmem:s15+$0xFFFFFFA0] =	vst v1;
	v1 =	vmul.f32 v39, v4;
	v38 =	vadd.f32 v38, v36;
	v37 =	vmul.f32 v37, v29;
	v39 =	vld [tilespmem:s20+$0xFFFFFFE0]  }
0x157: {  	v41 =	vld [tilespmem:s28+$0xFFFFFFB0];
	v40 =	vmul.f32 v40, v21;
	[tilespmem:s19+$0xD0] =	vst v18  }
0x158: {  	v18 =	vmul.f32 v42, v34;
	v1 =	vadd.f32 v1, v12;
	v38 =	vmul.f32 v38, v4;
	v42 =	vld [tilespmem:s20+$0xE0]  }
0x159: {  	v37 =	vadd.f32 v37, v25;
	v40 =	vadd.f32 v40, v22  }
0x15a: {  	v18 =	vadd.f32 v18, v35;
	[tilespmem:s15+$0x20] =	vst v1;
	v1 =	vadd.f32 v38, v12  }
0x15b: {  	v37 =	vmul.f32 v37, v7;
	v38 =	vld [tilespmem:s28+$0x30];
	v43 =	vmul.f32 v40, v7  }
0x15c: {  	v18 =	vmul.f32 v18, v4;
	v41 =	vmul.f32 v41, v27;
	[tilespmem:s15+$0xA0] =	vst v1  }
.Ltmp3:
0x15d: {  	v1 =	vadd.f32 v37, v15;
	v40 =	vld [tilespmem:s28+$0xB0];
	v44 =	vadd.f32 v43, v15;
	v37 =	vmul.f32 v42, v31;
	(pc) =	sbr.rel @p2 .LBB2_9-.Ltmp3, $4  }
0x15e: {  	v39 =	vmul.f32 v39, v19;
	v18 =	vadd.f32 v18, v12;
	v41 =	vadd.f32 v41, v24  }
0x15f: {  	[tilespmem:s19+$0xFFFFFF50] =	vst v1;
	v1 =	vadd.f32 v37, v23  }
0x160: {  	[tilespmem:s15+$0xFFFFFF20] =	vst v18;
	v43 =	vmul.f32 v41, v5;
	v42 =	vmul.f32 v38, v28;
	v37 =	vld [tilespmem:s20+$0xFFFFFF60];
	v38 =	vadd.f32 v39, v20  }
0x161: {  	s28 =	sadd.s32 $0x200, s28;
	v41 =	vld [tilespmem:s11+$0xFFFFFF30];
	[tilespmem:s19+$0x50] =	vst v44;
	v39 =	vmul.f32 v1, v8  }
0x162: {  	_ =	sdelay $0x1  }
0x163: {  	v1 =	vmul.f32 v40, v33;
	_ =	sdelay $0x1  }
0x164: {  	v1 =	vadd.f32 v1, v36;
	v18 =	vmul.f32 v41, v34;
	_ =	sdelay $0x1  }
0x165: {  	v1 =	vmul.f32 v1, v5;
	v18 =	vadd.f32 v18, v35  }
0x166: {  	v30 =	vadd.f32 v42, v26  }
0x167: {  	v1 =	vadd.f32 v1, v13;
	v18 =	vmul.f32 v18, v5  }
0x168: {  	v32 =	vadd.f32 v43, v13;
	v30 =	vmul.f32 v30, v5  }
0x169: {  	[tilespmem:s9+$0xB0] =	vst v1;
	v1 =	vadd.f32 v18, v13  }
0x16a: {  	[tilespmem:s15+$0xFFFFFFB0] =	vst v32;
	v30 =	vadd.f32 v30, v13;
	v18 =	vld [tilespmem:s11+$0xC0]  }
0x16b: {  	v32 =	vld [tilespmem:s11+$0xFFFFFFC0];
	[tilespmem:s9+$0xFFFFFF30] =	vst v1  }
0x16c: {  	[tilespmem:s9+$0x30] =	vst v30;
	v1 =	vld [tilespmem:s11+$0xFFFFFF40]  }
0x16d: {  	v30 =	vld [tilespmem:s11+$0x40];
	_ =	sdelay $0x1  }
0x16e: {  	v18 =	vmul.f32 v18, v33  }
0x16f: {  	v32 =	vmul.f32 v32, v27  }
0x170: {  	v18 =	vadd.f32 v18, v36;
	v1 =	vmul.f32 v1, v34  }
0x171: {  	v32 =	vadd.f32 v32, v24;
	v30 =	vmul.f32 v30, v28  }
0x172: {  	v18 =	vmul.f32 v18, v6;
	v1 =	vadd.f32 v1, v35  }
0x173: {  	v32 =	vmul.f32 v32, v6;
	v30 =	vadd.f32 v30, v26  }
0x174: {  	v18 =	vadd.f32 v18, v14;
	v1 =	vmul.f32 v1, v6  }
0x175: {  	v32 =	vadd.f32 v32, v14;
	v30 =	vmul.f32 v30, v6  }
0x176: {  	[tilespmem:s9+$0xC0] =	vst v18;
	v1 =	vadd.f32 v1, v14  }
0x177: {  	[tilespmem:s9+$0xFFFFFFC0] =	vst v32;
	v30 =	vadd.f32 v30, v14;
	v18 =	vld [tilespmem:s11+$0xD0]  }
0x178: {  	v32 =	vld [tilespmem:s11+$0xFFFFFFD0];
	[tilespmem:s9+$0xFFFFFF40] =	vst v1  }
0x179: {  	[tilespmem:s9+$0x40] =	vst v30;
	v1 =	vld [tilespmem:s11+$0xFFFFFF50]  }
0x17a: {  	v30 =	vld [tilespmem:s11+$0x50];
	_ =	sdelay $0x1  }
0x17b: {  	v18 =	vmul.f32 v18, v33  }
0x17c: {  	v32 =	vmul.f32 v32, v27  }
0x17d: {  	v18 =	vadd.f32 v18, v36;
	v1 =	vmul.f32 v1, v34  }
0x17e: {  	v32 =	vadd.f32 v32, v24;
	v30 =	vmul.f32 v30, v28  }
0x17f: {  	v18 =	vmul.f32 v18, v7;
	v1 =	vadd.f32 v1, v35  }
0x180: {  	v32 =	vmul.f32 v32, v7;
	v30 =	vadd.f32 v30, v26  }
0x181: {  	v18 =	vadd.f32 v18, v15;
	v1 =	vmul.f32 v1, v7  }
0x182: {  	v32 =	vadd.f32 v32, v15;
	v30 =	vmul.f32 v30, v7  }
0x183: {  	v63 =	vld [tilespmem:s20+$0x60];
	[tilespmem:s9+$0xD0] =	vst v18;
	v1 =	vadd.f32 v1, v15  }
0x184: {  	[tilespmem:s9+$0xFFFFFFD0] =	vst v32;
	v30 =	vadd.f32 v30, v15;
	v18 =	vld [tilespmem:s11+$0xE0]  }
0x185: {  	v45 =	vld [tilespmem:s11+$0xFFFFFFE0];
	[tilespmem:s9+$0xFFFFFF50] =	vst v1  }
0x186: {  	[tilespmem:s9+$0x50] =	vst v30;
	v1 =	vld [tilespmem:s11+$0xFFFFFF60]  }
0x187: {  	v44 =	vmul.f32 v37, v29;
	v47 =	vld [tilespmem:s11+$0x60]  }
0x188: {  	v38 =	vmul.f32 v38, v8;
	v40 =	vmul.f32 v63, v21  }
0x189: {  	v39 =	vadd.f32 v39, v16;
	v46 =	vadd.f32 v44, v25;
	v18 =	vmul.f32 v18, v33  }
0x18a: {  	v38 =	vadd.f32 v38, v16;
	v40 =	vadd.f32 v40, v22;
	v37 =	vmul.f32 v45, v27  }
0x18b: {  	[tilespmem:s19+$0xE0] =	vst v39;
	v30 =	vmul.f32 v46, v8;
	v18 =	vadd.f32 v18, v36;
	v1 =	vmul.f32 v1, v34  }
0x18c: {  	v39 =	vld [tilespmem:s20+$0xF0];
	[tilespmem:s19+$0xFFFFFFE0] =	vst v38;
	v40 =	vmul.f32 v40, v8;
	v37 =	vadd.f32 v37, v24;
	v32 =	vmul.f32 v47, v28  }
0x18d: {  	v38 =	vld [tilespmem:s20+$0xFFFFFFF0];
	v30 =	vadd.f32 v30, v16;
	v18 =	vmul.f32 v18, v8;
	v1 =	vadd.f32 v1, v35  }
0x18e: {  	v48 =	vadd.f32 v40, v16;
	v37 =	vmul.f32 v37, v8;
	v32 =	vadd.f32 v32, v26  }
0x18f: {  	[tilespmem:s19+$0xFFFFFF60] =	vst v30;
	v18 =	vadd.f32 v18, v16;
	v1 =	vmul.f32 v1, v8  }
0x190: {  	[tilespmem:s19+$0x60] =	vst v48;
	v49 =	vld [tilespmem:s20+$0xFFFFFF70];
	v50 =	vadd.f32 v37, v16;
	v32 =	vmul.f32 v32, v8  }
0x191: {  	v31 =	vmul.f32 v39, v31;
	v51 =	vld [tilespmem:s20+$0x70];
	[tilespmem:s9+$0xE0] =	vst v18;
	v1 =	vadd.f32 v1, v16  }
0x192: {  	v19 =	vmul.f32 v38, v19;
	[tilespmem:s9+$0xFFFFFFE0] =	vst v50;
	v52 =	vadd.f32 v32, v16;
	v18 =	vld [tilespmem:s11+$0xF0]  }
0x193: {  	v23 =	vadd.f32 v31, v23;
	v53 =	vld [tilespmem:s11+$0xFFFFFFF0];
	[tilespmem:s9+$0xFFFFFF60] =	vst v1  }
0x194: {  	v19 =	vadd.f32 v19, v20;
	[tilespmem:s9+$0x60] =	vst v52;
	v54 =	vld [tilespmem:s11+$0xFFFFFF70]  }
0x195: {  	v55 =	vmul.f32 v23, v9;
	v56 =	vld [tilespmem:s11+$0x70];
	v1 =	vmul.f32 v49, v29  }
0x196: {  	v19 =	vmul.f32 v19, v9;
	v57 =	vmul.f32 v51, v21  }
0x197: {  	v20 =	vadd.f32 v55, v17;
	v1 =	vadd.f32 v1, v25;
	v18 =	vmul.f32 v18, v33  }
0x198: {  	v19 =	vadd.f32 v19, v17;
	v21 =	vadd.f32 v57, v22;
	v58 =	vmul.f32 v53, v27  }
0x199: {  	v1 =	vmul.f32 v1, v9;
	v18 =	vadd.f32 v18, v36;
	v59 =	vmul.f32 v54, v34  }
0x19a: {  	v21 =	vmul.f32 v21, v9;
	v22 =	vadd.f32 v58, v24;
	v23 =	vmul.f32 v56, v28  }
0x19b: {  	[tilespmem:s19+$0xF0] =	vst v20;
	v1 =	vadd.f32 v1, v17;
	v18 =	vmul.f32 v18, v9;
	v60 =	vadd.f32 v59, v35  }
0x19c: {  	s10 =	sadd.s32 $0x1, s10;
	[tilespmem:s19+$0xFFFFFFF0] =	vst v19;
	v19 =	vadd.f32 v21, v17;
	v61 =	vmul.f32 v22, v9;
	v62 =	vadd.f32 v23, v26  }
0x19d: {  	p2 =	sne.s32 s10, $0x4;
	[tilespmem:s19+$0xFFFFFF70] =	vst v1;
	v1 =	vadd.f32 v18, v17;
	v18 =	vmul.f32 v60, v9  }
.Ltmp4:
0x19e: {  	[tilespmem:s19+$0x70] =	vst v19;
	v19 =	vadd.f32 v61, v17;
	v63 =	vmul.f32 v62, v9;
	(pc) =	sbr.rel @p2 .LBB2_6-.Ltmp4, $4  }
0x19f: {  	[tilespmem:s9+$0xF0] =	vst v1;
	v1 =	vadd.f32 v18, v17  }
0x1a0: {  	[tilespmem:s9+$0xFFFFFFF0] =	vst v19;
	v18 =	vadd.f32 v63, v17  }
0x1a1: {  	[tilespmem:s9+$0xFFFFFF70] =	vst v1  }
0x1a2: {  	s0 =	sadd.s32 $0x800, s0;
	s3 =	sadd.s32 $0x800, s3;
	[tilespmem:s9+$0x70] =	vst v18  }
0x1a3: {  	s0 =	sshll.u32 s1, $0xE  }
0x1a4: {  	s0 =	sadd.s32 s13, s0  }
0x1a5: {  	s0 =	sshrl.u32 s0, $0x3  }
0x1a6: {  	s3 =	simm.s32 $0x1A700;
	s0 =	sadd.s32 s5, s0  }
0x1a7: {  	[hbm4b:s0+s6] =	stream.linear.scatter [tilespmem:s3], [sflag:$0x5], $0x2000, $0x38;
	[tilespmem:$0x1E800] =	vst v63  }
0x1a8: {  	s0 =	simm.s32 @!p0 $0x1  }
0x1a9: {  	_ =	swait.ge @!p0 [sflag:s0], $0x100  }
0x1aa: {  	s9 =	simm.s32 @!p0 $0x16700;
	[sflag:s0] =	ssyncset.done @!p0 $0x0  }
0x1ab: {  	s3 =	simm.s32 @!p0 $0x16500;
	[sflag:s0] =	ssyncadd.s32 @!p0 $0xFFFFFF00;
	s0 =	simm.s32 @!p0 $0x40  }
0x1ac: {  	[tilespmem:s9], [sflag:$0x3] =	stream.indirect.gather @!p0 [hbm4b:s8+s0], $0x80, s3, s0, $0xb8;
	[tilespmem:$0x1E800] =	vst v63  }
0x1ad: {  	_ =	swait.ge [sflag:s29], $0x2000  }
0x1ae: {  	[sflag:s29] =	ssyncset.done $0x0  }
0x1af: {  	[sflag:s29] =	ssyncadd.s32 $0xFFFFE000  }
0x1b0: {  	v1 =	vld [tilespmem:$0x16680]  }
0x1b1: {  	v2 =	vld [tilespmem:$0x16690]  }
0x1b2: {  	v3 =	vld [tilespmem:$0x166A0]  }
0x1b3: {  	v4 =	vld [tilespmem:$0x166B0];
	_ =	sdelay $0x1  }
0x1b4: {  	s0 =	sadd.s32 @!p0 s4, s14;
	[tilespmem:$0x1E780] =	vst v1  }
0x1b5: {  	s0 =	sshll.u32 @!p0 s0, $0x5;
	[tilespmem:$0x1E790] =	vst v2  }
0x1b6: {  	s0 =	sand.u32 @!p0 $0x1FFFFFE0, s0;
	[tilespmem:$0x1E7A0] =	vst v3  }
0x1b7: {  	s3 =	simm.s32 @!p0 $0x0;
	s4 =	simm.s32 @!p0 $0x16600;
	s0 =	sadd.s32 @!p0 s7, s0;
	[tilespmem:$0x1E7B0] =	vst v4  }
0x1b8: {  	[tilespmem:s4], [sflag:$0x2] =	stream.linear.gather @!p0 [hbm4b:s0+s3], $0x100, $0x38;
	[tilespmem:$0x1E800] =	vst v63  }
0x1b9: {  	s0 =	simm.s32 @!p1 $0x6  }
0x1ba: {  	_ =	swait.ge @!p1 [sflag:s0], $0x2000  }
0x1bb: {  	[sflag:s0] =	ssyncset.done @!p1 $0x0  }
0x1bc: {  	[sflag:s0] =	ssyncadd.s32 @!p1 $0xFFFFE000  }
0x1bd: {  	v2 =	vld [tilespmem:$0x16400]  }
0x1be: {  	v3 =	vld [tilespmem:$0x16410]  }
0x1bf: {  	v4 =	vld [tilespmem:$0x16420]  }
0x1c0: {  	v5 =	vld [tilespmem:$0x16430]  }
0x1c1: {  	v6 =	vld [tilespmem:$0x16440]  }
0x1c2: {  	v7 =	vld [tilespmem:$0x16450]  }
0x1c3: {  	v8 =	vld [tilespmem:$0x16460]  }
0x1c4: {  	v9 =	vld [tilespmem:$0x16470]  }
0x1c5: {  	v10 =	vld [tilespmem:$0x16480]  }
0x1c6: {  	v11 =	vld [tilespmem:$0x16490]  }
0x1c7: {  	v12 =	vld [tilespmem:$0x164A0]  }
0x1c8: {  	v13 =	vld [tilespmem:$0x164B0]  }
0x1c9: {  	v16 =	vld [tilespmem:$0x164E0]  }
0x1ca: {  	s30 =	sshll.u32 s2, $0x6;
	v14 =	vld [tilespmem:$0x164C0]  }
0x1cb: {  	s18 =	simm.s32 $0x1C800;
	v1 =	vor.u32 s30, v0;
	v15 =	vld [tilespmem:$0x164D0]  }
0x1cc: {  	s19 =	simm.s32 $0x18800;
	s10 =	simm.s32 $0x0;
	s4 =	simm.s32 $0x0;
	[tilespmem:$0x1FFD0] =	vst v1;
	v17 =	vld [tilespmem:$0x164F0]  }
.LBB2_12:
0x1cd: {  	v1 =	vld [tilespmem:$0x1FFD0];
	_ =	sdelay $0x3  }
0x1ce: {  	s0 =	sshll.u32 s10, $0x4  }
0x1cf: {  	v18 =	vld [tilespmem:$0x1FFF0];
	v1 =	vor.u32 s0, v1  }
0x1d0: {  	v19 =	vmulhi.u32 $0x51EB851F, v1  }
0x1d1: {  	s11 =	simm.s32 $0x3  }
0x1d2: {  	s15 =	simm.s32 $0x2;
	v20 =	vmov s0;
	v26 =	vadd.s32 s11, v0;
	v19 =	vshrl.u32 v19, $0x6  }
0x1d3: {  	v21 =	vld [tilespmem:s0+$0x1E780];
	v29 =	vadd.s32 s15, v0;
	v22 =	vshll.u32 v20, $0x7;
	v19 =	vmul.u32 $0xC8, v19  }
0x1d4: {  	v31 =	vand.u32 $0x7F, v26;
	v33 =	vand.u32 $0x7F, v29;
	v24 =	vor.u32 v18, v22  }
0x1d5: {  	v26 =	vor.u32 v24, v31;
	v1 =	vsub.s32 v1, v19;
	v19 =	vadd.s32 s4, v0  }
0x1d6: {  	s30 =	simm.s32 $0x6;
	s3 =	simm.s32 $0x5;
	v29 =	vor.u32 v24, v33;
	v20 =	vshll.u32 v1, $0x7;
	v1 =	vand.u32 $0x7F, v19  }
0x1d7: {  	v25 =	vadd.s32 s3, v0;
	v22 =	vadd.s32 s30, v0;
	v19 =	vor.u32 v20, v1  }
0x1d8: {  	v23 =	vshll.u32 v21, $0x7;
	v27 =	vand.u32 $0x7F, v22;
	v21 =	vor.u32 v24, v1  }
0x1d9: {  	s9 =	simm.s32 $0x4;
	v28 =	vand.u32 $0x7F, v25;
	v25 =	vor.u32 v20, v27  }
0x1da: {  	v22 =	vadd.s32 s9, v0;
	v47 =	vld.idx.msk [tilespmem:v26+s25+$0x0], $0xffff;
	v1 =	vor.u32 v23, v1  }
0x1db: {  	v30 =	vand.u32 $0x7F, v22;
	v48 =	vld.idx.msk [tilespmem:v29+s25+$0x0], $0xffff;
	v22 =	vor.u32 v20, v28  }
0x1dc: {  	s16 =	simm.s32 $0x1;
	v32 =	vor.u32 v20, v30;
	v34 =	vld.idx.msk [tilespmem:v19+s6+$0x0], $0xffff  }
0x1dd: {  	v35 =	vor.u32 v20, v31;
	v36 =	vld.idx.msk [tilespmem:v21+s25+$0x0], $0xffff;
	v19 =	vadd.s32 s16, v0  }
0x1de: {  	v37 =	vor.u32 v20, v33;
	v33 =	vor.u32 v23, v33;
	v41 =	vld.idx.msk [tilespmem:v25+s6+$0x0], $0xffff;
	v25 =	vand.u32 $0x7F, v19  }
0x1df: {  	v1 =	vld.idx.msk [tilespmem:v1+s17+$0x0], $0xffff;
	v19 =	vor.u32 v24, v25  }
0x1e0: {  	v44 =	vimm.f32 $0.0e+00;
	s20 =	simm.s32 $0x7;
	s21 =	simm.s32 $0xD;
	s28 =	simm.s32 $0x9;
	v40 =	vld.idx.msk [tilespmem:v22+s6+$0x0], $0xffff;
	v57 =	vor.u32 v23, v25  }
0x1e1: {  	v59 =	vadd.s32 s20, v0;
	s11 =	simm.s32 $0xB;
	s15 =	simm.s32 $0xC;
	v42 =	vadd.s32 s21, v0;
	v52 =	vadd.s32 s28, v0;
	v38 =	vld.idx.msk [tilespmem:v32+s6+$0x0], $0xffff  }
0x1e2: {  	v49 =	vadd.s32 s11, v0;
	v50 =	vadd.s32 s15, v0;
	s0 =	simm.s32 $0x8;
	v45 =	vld.idx.msk [tilespmem:v35+s6+$0x0], $0xffff;
	v39 =	vor.u32 v20, v25  }
0x1e3: {  	v56 =	vand.u32 $0x7F, v59;
	s30 =	simm.s32 $0xA;
	v58 =	vadd.s32 s0, v0;
	s9 =	simm.s32 $0xE;
	v31 =	vor.u32 v23, v31;
	v60 =	vld.idx.msk [tilespmem:v33+s17+$0x0], $0xffff  }
0x1e4: {  	v53 =	vadd.s32 s30, v0;
	v43 =	vadd.s32 s9, v0;
	v22 =	vor.u32 v24, v30;
	v51 =	vld.idx.msk [tilespmem:v19+s25+$0x0], $0xffff  }
0x1e5: {  	v55 =	vand.u32 $0x7F, v58;
	v62 =	vor.u32 v23, v27;
	v30 =	vor.u32 v23, v30;
	v54 =	vld.idx.msk [tilespmem:v57+s17+$0x0], $0xffff  }
0x1e6: {  	v46 =	vld.idx.msk [tilespmem:v37+s6+$0x0], $0xffff;
	v32 =	vand.u32 $0x7F, v42;
	v35 =	vand.u32 $0x7F, v43;
	v25 =	vor.u32 v24, v28  }
0x1e7: {  	v33 =	vand.u32 $0x7F, v50;
	v42 =	vand.u32 $0x7F, v53;
	v57 =	vor.u32 v23, v28;
	v58 =	vld.idx.msk [tilespmem:v39+s6+$0x0], $0xffff  }
0x1e8: {  	v61 =	vld.idx.msk [tilespmem:v31+s17+$0x0], $0xffff;
	v53 =	vor.u32 v20, v55;
	v43 =	vand.u32 $0x7F, v52;
	v1 =	vadd.f32 v1, v36  }
0x1e9: {  	v31 =	vor.u32 v24, v56;
	v50 =	vld.idx.msk [tilespmem:v22+s25+$0x0], $0xffff;
	v63 =	vadd.f32 v60, v48;
	v28 =	vor.u32 v24, v27  }
0x1ea: {  	v52 =	vld.idx.msk [tilespmem:v30+s17+$0x0], $0xffff;
	v48 =	vor.u32 v20, v35;
	v30 =	vadd.f32 v34, v1;
	v1 =	vadd.f32 v54, v51  }
0x1eb: {  	v39 =	vand.u32 $0x7F, v49;
	v27 =	vor.u32 v24, v55;
	v51 =	vor.u32 v23, v56;
	v54 =	vld.idx.msk [tilespmem:v25+s25+$0x0], $0xffff  }
0x1ec: {  	v55 =	vor.u32 v23, v55;
	v59 =	vmul.f32 v30, v30;
	v57 =	vld.idx.msk [tilespmem:v57+s17+$0x0], $0xffff;
	v37 =	vadd.f32 v58, v1  }
0x1ed: {  	v34 =	vadd.f32 v46, v63;
	v46 =	vadd.f32 v61, v47;
	v47 =	vld.idx.msk [tilespmem:v62+s17+$0x0], $0xffff;
	v1 =	vor.u32 v20, v56  }
0x1ee: {  	v56 =	vld.idx.msk [tilespmem:v28+s25+$0x0], $0xffff;
	v58 =	vadd.f32 v30, v44;
	v44 =	vadd.f32 v59, v44;
	v59 =	vmul.f32 v37, v37  }
0x1ef: {  	v60 =	vld.idx.msk [tilespmem:v31+s25+$0x0], $0xffff;
	v49 =	vor.u32 v20, v32;
	v36 =	vadd.f32 v45, v46;
	v45 =	vadd.f32 v52, v50  }
0x1f0: {  	v58 =	vadd.f32 v37, v58;
	v61 =	vld.idx.msk [tilespmem:v51+s17+$0x0], $0xffff;
	v44 =	vadd.f32 v59, v44;
	v59 =	vmul.f32 v34, v34  }
0x1f1: {  	v50 =	vor.u32 v20, v33;
	v38 =	vadd.f32 v38, v45;
	v62 =	vadd.f32 v57, v54  }
0x1f2: {  	v63 =	vmul.f32 v36, v36;
	v46 =	vadd.f32 v34, v58;
	v51 =	vld.idx.msk [tilespmem:v1+s6+$0x0], $0xffff;
	v54 =	vadd.f32 v59, v44  }
0x1f3: {  	v52 =	vor.u32 v20, v39;
	v40 =	vadd.f32 v40, v62;
	v1 =	vadd.f32 v47, v56  }
0x1f4: {  	v47 =	vld.idx.msk [tilespmem:v55+s17+$0x0], $0xffff;
	v62 =	vadd.f32 v36, v46;
	v57 =	vadd.f32 v63, v54;
	v63 =	vmul.f32 v38, v38  }
0x1f5: {  	v44 =	vld.idx.msk [tilespmem:v53+s6+$0x0], $0xffff;
	v53 =	vor.u32 v20, v42;
	v41 =	vadd.f32 v41, v1;
	v54 =	vadd.f32 v61, v60  }
0x1f6: {  	s3 =	simm.s32 $0x10;
	v46 =	vld.idx.msk [tilespmem:v27+s25+$0x0], $0xffff;
	v56 =	vadd.f32 v38, v62;
	v55 =	vadd.f32 v63, v57;
	v57 =	vmul.f32 v40, v40  }
.LBB2_13:
0x1f7: {  	p0 =	slt.u32 s3, $0x78;
	v1 =	vor.u32 v24, v42;
	v58 =	vor.u32 v24, v39;
	v45 =	vld.idx.msk [tilespmem:v48+s6+$0x0], $0xffff;
	v48 =	vadd.f32 v51, v54  }
0x1f8: {  	v54 =	vld.idx.msk [tilespmem:v49+s6+$0x0], $0xffff;
	v49 =	vadd.f32 v40, v56;
	v51 =	vadd.f32 v57, v55;
	v55 =	vmul.f32 v41, v41  }
0x1f9: {  	v56 =	vor.u32 v23, v43;
	v57 =	vld.idx.msk [tilespmem:v50+s6+$0x0], $0xffff;
	[tilespmem:v19+s25+$0x0] =	vst.idx.msk $0xffff, v37;
	v19 =	vor.u32 v24, v43  }
0x1fa: {  	s9 =	sadd.s32 $0x7, s0;
	s0 =	smov.u32 s3;
	v50 =	vld.idx.msk [tilespmem:v52+s6+$0x0], $0xffff;
	v37 =	vadd.f32 v41, v49;
	v49 =	vadd.f32 v55, v51;
	v51 =	vmul.f32 v48, v48  }
0x1fb: {  	v42 =	vor.u32 v23, v42;
	v52 =	vadd.s32 s3, v0;
	v55 =	vadd.s32 s9, v0;
	v53 =	vld.idx.msk [tilespmem:v53+s6+$0x0], $0xffff;
	[tilespmem:v29+s25+$0x0] =	vst.idx.msk $0xffff, v34  }
0x1fc: {  	s11 =	sadd.s32 $0x6, s3;
	s9 =	sadd.s32 $0x5, s3;
	v29 =	vor.u32 v20, v43;
	v59 =	vld.idx.msk [tilespmem:v58+s25+$0x0], $0xffff;
	v60 =	vadd.f32 v48, v37;
	v49 =	vadd.f32 v51, v49  }
0x1fd: {  	s15 =	sadd.s32 $0x3, s3;
	s16 =	sadd.s32 $0x4, s3;
	v34 =	vadd.s32 s9, v0;
	v43 =	vor.u32 v23, v39;
	v37 =	vadd.s32 s11, v0;
	v51 =	vld.idx.msk [tilespmem:v1+s25+$0x0], $0xffff;
	[tilespmem:v26+s25+$0x0] =	vst.idx.msk $0xffff, v36  }
0x1fe: {  	s9 =	sadd.s32 $0x1, s3;
	s11 =	sadd.s32 $0x2, s3;
	v26 =	vadd.s32 s15, v0;
	v36 =	vadd.s32 s16, v0;
	v61 =	vld.idx.msk [tilespmem:v19+s25+$0x0], $0xffff;
	[tilespmem:v22+s25+$0x0] =	vst.idx.msk $0xffff, v38;
	v22 =	vor.u32 v24, v33  }
0x1ff: {  	v63 =	vor.u32 v23, v33;
	v62 =	vadd.s32 s11, v0;
	v38 =	vadd.s32 s9, v0;
	v56 =	vld.idx.msk [tilespmem:v56+s17+$0x0], $0xffff;
	[tilespmem:v25+s25+$0x0] =	vst.idx.msk $0xffff, v40  }
0x200: {  	v55 =	vand.u32 $0x7F, v55;
	v40 =	vand.u32 $0x7F, v52;
	v25 =	vor.u32 v24, v32;
	v52 =	vld.idx.msk [tilespmem:v42+s17+$0x0], $0xffff;
	[tilespmem:v28+s25+$0x0] =	vst.idx.msk $0xffff, v41  }
0x201: {  	v18 =	vor.u32 v23, v32;
	v32 =	vand.u32 $0x7F, v34;
	v41 =	vand.u32 $0x7F, v37;
	v37 =	vld.idx.msk [tilespmem:v29+s6+$0x0], $0xffff;
	[tilespmem:v31+s25+$0x0] =	vst.idx.msk $0xffff, v48  }
0x202: {  	v39 =	vand.u32 $0x7F, v26;
	v33 =	vand.u32 $0x7F, v36;
	v28 =	vor.u32 v24, v35;
	v36 =	vld.idx.msk [tilespmem:v43+s17+$0x0], $0xffff;
	[tilespmem:v21+s25+$0x0] =	vst.idx.msk $0xffff, v30  }
0x203: {  	v42 =	vand.u32 $0x7F, v62;
	v35 =	vor.u32 v23, v35;
	v29 =	vmovc v1;
	v21 =	vadd.f32 v47, v46;
	v46 =	vld.idx.msk [tilespmem:v22+s25+$0x0], $0xffff  }
0x204: {  	v26 =	vmovc v58;
	v1 =	vor.u32 v20, v40;
	v31 =	vor.u32 v24, v55;
	v43 =	vand.u32 $0x7F, v38;
	v38 =	vld.idx.msk [tilespmem:v63+s17+$0x0], $0xffff  }
0x205: {  	v47 =	vor.u32 v23, v55;
	v30 =	vadd.f32 v44, v21;
	v21 =	vadd.f32 v56, v61;
	v44 =	vld.idx.msk [tilespmem:v25+s25+$0x0], $0xffff  }
0x206: {  	v58 =	vor.u32 v23, v40;
	v56 =	vor.u32 v24, v40;
	v34 =	vadd.f32 v52, v51;
	v18 =	vld.idx.msk [tilespmem:v18+s17+$0x0], $0xffff  }
0x207: {  	v40 =	vmul.f32 v30, v30;
	v37 =	vadd.f32 v37, v21;
	v21 =	vor.u32 v20, v55;
	v61 =	vld.idx.msk [tilespmem:v28+s25+$0x0], $0xffff  }
0x208: {  	v48 =	vor.u32 v20, v41;
	v34 =	vadd.f32 v53, v34;
	v36 =	vadd.f32 v36, v59;
	v53 =	vld.idx.msk [tilespmem:v35+s17+$0x0], $0xffff  }
0x209: {  	v59 =	vadd.f32 v30, v60;
	v40 =	vadd.f32 v40, v49;
	v51 =	vmul.f32 v37, v37;
	v55 =	vld.idx.msk [tilespmem:v31+s25+$0x0], $0xffff  }
0x20a: {  	v49 =	vor.u32 v20, v32;
	v36 =	vadd.f32 v50, v36;
	v38 =	vadd.f32 v38, v46;
	v47 =	vld.idx.msk [tilespmem:v47+s17+$0x0], $0xffff  }
0x20b: {  	v35 =	vmovc v41;
	v46 =	vadd.f32 v37, v59;
	v52 =	vmul.f32 v34, v34;
	v40 =	vadd.f32 v51, v40  }
0x20c: {  	v50 =	vor.u32 v20, v33;
	v38 =	vadd.f32 v57, v38;
	v18 =	vadd.f32 v18, v44;
	v51 =	vld.idx.msk [tilespmem:v21+s6+$0x0], $0xffff  }
.Ltmp5:
0x20d: {  	v41 =	vadd.f32 v34, v46;
	v57 =	vmul.f32 v36, v36;
	v46 =	vadd.f32 v52, v40;
	v21 =	vmovc v27;
	(pc) =	sbr.rel @p0 .LBB2_13-.Ltmp5, $4  }
0x20e: {  	v52 =	vor.u32 v20, v39;
	v27 =	vmovc v56;
	v40 =	vadd.f32 v54, v18;
	v18 =	vadd.f32 v53, v61  }
0x20f: {  	v59 =	vmul.f32 v38, v38;
	v57 =	vadd.f32 v57, v46;
	v44 =	vld.idx.msk [tilespmem:v1+s6+$0x0], $0xffff;
	v1 =	vadd.f32 v36, v41  }
0x210: {  	v53 =	vor.u32 v20, v42;
	v41 =	vadd.f32 v45, v18;
	v54 =	vadd.f32 v47, v55;
	v46 =	vld.idx.msk [tilespmem:v56+s25+$0x0], $0xffff  }
0x211: {  	s3 =	sadd.s32 $0x8, s3;
	v55 =	vadd.f32 v59, v57;
	v57 =	vmul.f32 v40, v40;
	v47 =	vld.idx.msk [tilespmem:v58+s17+$0x0], $0xffff;
	v56 =	vadd.f32 v38, v1  }
0x212: {  	_ =	sdelay $0x3  }
0x213: {  	v1 =	vor.u32 v24, v39;
	v18 =	vld.idx.msk [tilespmem:v48+s6+$0x0], $0xffff  }
0x214: {  	v45 =	vor.u32 v24, v42;
	v48 =	vld.idx.msk [tilespmem:v49+s6+$0x0], $0xffff  }
0x215: {  	v49 =	vor.u32 v24, v43;
	v50 =	vld.idx.msk [tilespmem:v50+s6+$0x0], $0xffff  }
0x216: {  	v58 =	vor.u32 v23, v43;
	v52 =	vld.idx.msk [tilespmem:v52+s6+$0x0], $0xffff  }
0x217: {  	v42 =	vor.u32 v23, v42;
	v53 =	vld.idx.msk [tilespmem:v53+s6+$0x0], $0xffff  }
0x218: {  	v43 =	vor.u32 v20, v43;
	v59 =	vld.idx.msk [tilespmem:v1+s25+$0x0], $0xffff  }
0x219: {  	v39 =	vor.u32 v23, v39;
	v60 =	vld.idx.msk [tilespmem:v45+s25+$0x0], $0xffff  }
0x21a: {  	v62 =	vor.u32 v24, v33;
	v33 =	vor.u32 v23, v33;
	v56 =	vadd.f32 v40, v56;
	v61 =	vld.idx.msk [tilespmem:v49+s25+$0x0], $0xffff  }
0x21b: {  	v63 =	vmul.f32 v41, v41;
	v55 =	vadd.f32 v57, v55;
	v58 =	vld.idx.msk [tilespmem:v58+s17+$0x0], $0xffff  }
0x21c: {  	v51 =	vadd.f32 v51, v54;
	s0 =	sadd.s32 $0x7, s0;
	v54 =	vadd.f32 v41, v56;
	v56 =	vor.u32 v24, v32;
	v42 =	vld.idx.msk [tilespmem:v42+s17+$0x0], $0xffff  }
0x21d: {  	v57 =	vadd.s32 s0, v0;
	v55 =	vadd.f32 v63, v55;
	v32 =	vor.u32 v23, v32;
	v43 =	vld.idx.msk [tilespmem:v43+s6+$0x0], $0xffff  }
0x21e: {  	v63 =	vor.u32 v24, v35;
	v35 =	vor.u32 v23, v35;
	v46 =	vadd.f32 v47, v46;
	v39 =	vld.idx.msk [tilespmem:v39+s17+$0x0], $0xffff  }
0x21f: {  	v57 =	vand.u32 $0x7F, v57;
	v47 =	vmul.f32 v51, v51;
	v54 =	vadd.f32 v51, v54;
	v33 =	vld.idx.msk [tilespmem:v33+s17+$0x0], $0xffff  }
0x220: {  	v23 =	vor.u32 v23, v57;
	v44 =	vadd.f32 v44, v46;
	v46 =	vld.idx.msk [tilespmem:v62+s25+$0x0], $0xffff;
	v58 =	vadd.f32 v58, v61  }
0x221: {  	v24 =	vor.u32 v24, v57;
	v47 =	vadd.f32 v47, v55;
	v55 =	vld.idx.msk [tilespmem:v56+s25+$0x0], $0xffff;
	v42 =	vadd.f32 v42, v60  }
0x222: {  	v32 =	vld.idx.msk [tilespmem:v32+s17+$0x0], $0xffff;
	v54 =	vadd.f32 v44, v54;
	v60 =	vmul.f32 v44, v44;
	v43 =	vadd.f32 v43, v58  }
0x223: {  	v20 =	vor.u32 v20, v57;
	v35 =	vld.idx.msk [tilespmem:v35+s17+$0x0], $0xffff;
	v39 =	vadd.f32 v39, v59;
	v42 =	vadd.f32 v53, v42  }
0x224: {  	v53 =	vld.idx.msk [tilespmem:v63+s25+$0x0], $0xffff;
	v47 =	vadd.f32 v60, v47;
	v61 =	vmul.f32 v43, v43;
	v54 =	vadd.f32 v43, v54  }
0x225: {  	v23 =	vld.idx.msk [tilespmem:v23+s17+$0x0], $0xffff;
	v33 =	vadd.f32 v33, v46;
	v39 =	vadd.f32 v52, v39  }
0x226: {  	v58 =	vld.idx.msk [tilespmem:v24+s25+$0x0], $0xffff;
	v59 =	vmul.f32 v42, v42;
	v47 =	vadd.f32 v61, v47;
	v54 =	vadd.f32 v42, v54  }
0x227: {  	v33 =	vadd.f32 v50, v33;
	v32 =	vadd.f32 v32, v55  }
0x228: {  	v20 =	vld.idx.msk [tilespmem:v20+s6+$0x0], $0xffff;
	v60 =	vmul.f32 v39, v39;
	v47 =	vadd.f32 v59, v47;
	v61 =	vadd.f32 v39, v54  }
0x229: {  	v32 =	vadd.f32 v48, v32;
	v35 =	vadd.f32 v35, v53  }
0x22a: {  	v55 =	vmul.f32 v33, v33;
	v47 =	vadd.f32 v60, v47;
	v57 =	vadd.f32 v33, v61  }
0x22b: {  	v23 =	vadd.f32 v23, v58;
	v18 =	vadd.f32 v18, v35  }
0x22c: {  	v59 =	vmul.f32 v32, v32;
	v58 =	vadd.f32 v55, v47;
	v60 =	vadd.f32 v32, v57  }
0x22d: {  	v20 =	vadd.f32 v20, v23  }
0x22e: {  	v61 =	vmul.f32 v18, v18;
	v23 =	vadd.f32 v59, v58;
	v48 =	vadd.f32 v18, v60;
	_ =	sdelay $0x1  }
0x22f: {  	v50 =	vmul.f32 v20, v20;
	v23 =	vadd.f32 v61, v23;
	v46 =	vadd.f32 v20, v48;
	_ =	sdelay $0x1  }
0x230: {  	v23 =	vadd.f32 v50, v23;
	v52 =	vmul.f32 $7.812500000e-03, v46;
	_ =	sdelay $0x1  }
0x231: {  	v23 =	vmul.f32 $7.812500000e-03, v23;
	v46 =	vmul.f32 v52, v52;
	_ =	sdelay $0x1  }
0x232: {  	v23 =	vsub.f32 v23, v46;
	_ =	sdelay $0x1  }
0x233: {  	v23 =	vadd.f32 $9.999999960e-13, v23;
	_ =	sdelay $0x1  }
0x234: {  	v53 =	vshrl.u32 v23, $0x1;
	v23 =	vmul.f32 $5.000000000e-01, v23  }
0x235: {  	v46 =	vsub.s32 $0x5F3759DF, v53  }
0x236: {  	v54 =	vmul.f32 v46, v23;
	_ =	sdelay $0x1  }
0x237: {  	v47 =	vmul.f32 v46, v54;
	_ =	sdelay $0x1  }
0x238: {  	v47 =	vsub.f32 $1.500000000e+00, v47;
	_ =	sdelay $0x1  }
0x239: {  	[tilespmem:v19+s25+$0x0] =	vst.idx.msk $0xffff, v37;
	v19 =	vmul.f32 v46, v47  }
0x23a: {  	[tilespmem:v29+s25+$0x0] =	vst.idx.msk $0xffff, v34  }
0x23b: {  	[tilespmem:v26+s25+$0x0] =	vst.idx.msk $0xffff, v36;
	v26 =	vmul.f32 v19, v23  }
0x23c: {  	[tilespmem:v22+s25+$0x0] =	vst.idx.msk $0xffff, v38  }
0x23d: {  	[tilespmem:v25+s25+$0x0] =	vst.idx.msk $0xffff, v40;
	v22 =	vmul.f32 v26, v19  }
0x23e: {  	[tilespmem:v28+s25+$0x0] =	vst.idx.msk $0xffff, v41  }
0x23f: {  	[tilespmem:v21+s25+$0x0] =	vst.idx.msk $0xffff, v30;
	v22 =	vsub.f32 $1.500000000e+00, v22  }
0x240: {  	[tilespmem:v31+s25+$0x0] =	vst.idx.msk $0xffff, v51  }
0x241: {  	[tilespmem:v27+s25+$0x0] =	vst.idx.msk $0xffff, v44;
	v19 =	vmul.f32 v22, v19  }
0x242: {  	[tilespmem:v49+s25+$0x0] =	vst.idx.msk $0xffff, v43  }
0x243: {  	[tilespmem:v1+s25+$0x0] =	vst.idx.msk $0xffff, v39;
	v1 =	vmul.f32 v19, v23  }
0x244: {  	[tilespmem:v45+s25+$0x0] =	vst.idx.msk $0xffff, v42  }
0x245: {  	[tilespmem:v62+s25+$0x0] =	vst.idx.msk $0xffff, v33;
	v1 =	vmul.f32 v1, v19  }
0x246: {  	[tilespmem:v56+s25+$0x0] =	vst.idx.msk $0xffff, v32  }
0x247: {  	[tilespmem:v63+s25+$0x0] =	vst.idx.msk $0xffff, v18;
	v1 =	vsub.f32 $1.500000000e+00, v1  }
0x248: {  	[tilespmem:v24+s25+$0x0] =	vst.idx.msk $0xffff, v20  }
0x249: {  	v18 =	vld [tilespmem:s19+$0xFFFFFF80];
	v30 =	vmul.f32 v1, v19;
	v1 =	vsub.f32 $0.0e+00, v52  }
0x24a: {  	s11 =	simm.s32 $0x1  }
0x24b: {  	v21 =	vld [tilespmem:s19+$0x80];
	v32 =	vmul.f32 v30, v1;
	v1 =	vmov s11  }
0x24c: {  	s15 =	simm.s32 $0x3;
	v19 =	vperm.xlane v30, v1  }
0x24d: {  	v20 =	vperm.xlane v32, v1;
	v1 =	vmov s15  }
0x24e: {  	v18 =	vmul.f32 v18, v19;
	v31 =	vperm.xlane v30, v1;
	_ =	sdelay $0x1  }
0x24f: {  	v23 =	vperm.xlane v32, v1;
	v18 =	vadd.f32 v18, v20;
	v1 =	vmul.f32 v21, v31  }
0x250: {  	v26 =	vld [tilespmem:s19+$0xFFFFFF00]  }
0x251: {  	s16 =	simm.s32 $0x2;
	s3 =	simm.s32 $0x0;
	v24 =	vld [tilespmem:s19+$0x0];
	v18 =	vmul.f32 v18, v2;
	v1 =	vadd.f32 v1, v23  }
0x252: {  	v25 =	vmov s3;
	v22 =	vmov s16  }
0x253: {  	v29 =	vperm.xlane v30, v25;
	v18 =	vadd.f32 v18, v10;
	v1 =	vmul.f32 v1, v2  }
0x254: {  	v21 =	vperm.xlane v30, v22  }
0x255: {  	v25 =	vperm.xlane v32, v25;
	v26 =	vmul.f32 v26, v29;
	[tilespmem:s18+$0xFFFFFF80] =	vst v18;
	v1 =	vadd.f32 v1, v10  }
0x256: {  	v22 =	vperm.xlane v32, v22;
	v18 =	vmul.f32 v24, v21;
	v24 =	vld [tilespmem:s19+$0xFFFFFF90]  }
0x257: {  	[tilespmem:s18+$0x80] =	vst v1  }
0x258: {  	v26 =	vadd.f32 v26, v25;
	v1 =	vadd.f32 v18, v22;
	v18 =	vld [tilespmem:s19+$0x90];
	_ =	sdelay $0x1  }
0x259: {  	v26 =	vmul.f32 v26, v2  }
0x25a: {  	v24 =	vmul.f32 v24, v19  }
0x25b: {  	v26 =	vadd.f32 v26, v10  }
0x25c: {  	v1 =	vmul.f32 v1, v2;
	v24 =	vadd.f32 v24, v20;
	v18 =	vmul.f32 v18, v31  }
0x25d: {  	[tilespmem:s18+$0xFFFFFF00] =	vst v26  }
0x25e: {  	v26 =	vld [tilespmem:s19+$0xFFFFFF10];
	v1 =	vadd.f32 v1, v10;
	v24 =	vmul.f32 v24, v3;
	v18 =	vadd.f32 v18, v23;
	_ =	sdelay $0x1  }
0x25f: {  	[tilespmem:s18+$0x0] =	vst v1;
	v24 =	vadd.f32 v24, v11;
	v18 =	vmul.f32 v18, v3  }
0x260: {  	v1 =	vld [tilespmem:s19+$0x10]  }
0x261: {  	[tilespmem:s18+$0xFFFFFF90] =	vst v24;
	v18 =	vadd.f32 v18, v11  }
0x262: {  	v26 =	vmul.f32 v26, v29;
	v24 =	vld [tilespmem:s19+$0xFFFFFFA0]  }
0x263: {  	[tilespmem:s18+$0x90] =	vst v18  }
0x264: {  	v26 =	vadd.f32 v26, v25;
	v18 =	vld [tilespmem:s19+$0xA0]  }
0x265: {  	v1 =	vmul.f32 v1, v21  }
0x266: {  	v26 =	vmul.f32 v26, v3  }
0x267: {  	v1 =	vadd.f32 v1, v22;
	v24 =	vmul.f32 v24, v19  }
0x268: {  	v26 =	vadd.f32 v26, v11  }
0x269: {  	v1 =	vmul.f32 v1, v3;
	v24 =	vadd.f32 v24, v20;
	v18 =	vmul.f32 v18, v31;
	_ =	sdelay $0x1  }
0x26a: {  	[tilespmem:s18+$0xFFFFFF10] =	vst v26;
	v1 =	vadd.f32 v1, v11;
	v24 =	vmul.f32 v24, v4;
	v18 =	vadd.f32 v18, v23  }
0x26b: {  	v26 =	vld [tilespmem:s19+$0xFFFFFF20]  }
0x26c: {  	[tilespmem:s18+$0x10] =	vst v1;
	v24 =	vadd.f32 v24, v12;
	v18 =	vmul.f32 v18, v4  }
0x26d: {  	v1 =	vld [tilespmem:s19+$0x20]  }
0x26e: {  	[tilespmem:s18+$0xFFFFFFA0] =	vst v24;
	v18 =	vadd.f32 v18, v12  }
0x26f: {  	s11 =	sadd.s32 $0x200, s19;
	v24 =	vld [tilespmem:s19+$0xFFFFFFB0]  }
0x270: {  	v26 =	vmul.f32 v26, v29;
	[tilespmem:s18+$0xA0] =	vst v18;
	v18 =	vld [tilespmem:s11+$0xFFFFFF80]  }
0x271: {  	s20 =	simm.s32 $0x5;
	v28 =	vld [tilespmem:s19+$0xB0]  }
0x272: {  	v55 =	vmov s20;
	v26 =	vadd.f32 v26, v25;
	v1 =	vmul.f32 v1, v21  }
0x273: {  	v27 =	vperm.xlane v30, v55  }
0x274: {  	v26 =	vmul.f32 v26, v4;
	v1 =	vadd.f32 v1, v22;
	v56 =	vmul.f32 v24, v19  }
0x275: {  	v57 =	vld [tilespmem:s11+$0x0];
	v24 =	vperm.xlane v32, v55;
	v18 =	vmul.f32 v18, v27  }
0x276: {  	s21 =	simm.s32 $0x6;
	s30 =	simm.s32 $0x4;
	v26 =	vadd.f32 v26, v12;
	v1 =	vmul.f32 v1, v4;
	v28 =	vmul.f32 v28, v31  }
0x277: {  	v45 =	vmov s30;
	v58 =	vmov s21;
	v18 =	vadd.f32 v18, v24  }
0x278: {  	v60 =	vld [tilespmem:s11+$0x80];
	[tilespmem:s18+$0xFFFFFF20] =	vst v26;
	v1 =	vadd.f32 v1, v12;
	v61 =	vadd.f32 v28, v23;
	v28 =	vperm.xlane v30, v58  }
0x279: {  	s28 =	simm.s32 $0x7;
	v26 =	vperm.xlane v32, v58;
	v38 =	vld [tilespmem:s19+$0xFFFFFF30];
	v34 =	vadd.f32 v56, v20;
	v18 =	vmul.f32 v18, v2  }
0x27a: {  	v39 =	vld [tilespmem:s11+$0xFFFFFF00];
	[tilespmem:s18+$0x20] =	vst v1;
	v1 =	vmov s28;
	v62 =	vmul.f32 v61, v5;
	v63 =	vmul.f32 v57, v28  }
0x27b: {  	v41 =	vld [tilespmem:s19+$0x30];
	v33 =	vperm.xlane v30, v1;
	v36 =	vperm.xlane v32, v1;
	v18 =	vadd.f32 v18, v10  }
0x27c: {  	s15 =	sadd.s32 $0x200, s18;
	v59 =	vmul.f32 v34, v5;
	v1 =	vadd.f32 v62, v13;
	v46 =	vadd.f32 v63, v26  }
0x27d: {  	v34 =	vperm.xlane v30, v45;
	v47 =	vmul.f32 v60, v33;
	[tilespmem:s15+$0xFFFFFF80] =	vst v18  }
0x27e: {  	v48 =	vmul.f32 v38, v29;
	v18 =	vadd.f32 v59, v13;
	v49 =	vld [tilespmem:s11+$0xFFFFFF90];
	[tilespmem:s18+$0xB0] =	vst v1;
	v1 =	vmul.f32 v46, v2  }
0x27f: {  	v35 =	vperm.xlane v32, v45;
	v39 =	vmul.f32 v39, v34;
	v40 =	vadd.f32 v47, v36;
	v43 =	vld [tilespmem:s19+$0xC0]  }
0x280: {  	v41 =	vmul.f32 v41, v21;
	[tilespmem:s18+$0xFFFFFFB0] =	vst v18;
	v18 =	vadd.f32 v48, v25;
	v1 =	vadd.f32 v1, v10  }
0x281: {  	v39 =	vadd.f32 v39, v35;
	v40 =	vmul.f32 v40, v2;
	v50 =	vld [tilespmem:s19+$0xFFFFFFC0]  }
0x282: {  	v41 =	vadd.f32 v41, v22;
	v18 =	vmul.f32 v18, v5;
	[tilespmem:s15+$0x0] =	vst v1  }
0x283: {  	v39 =	vmul.f32 v39, v2;
	v1 =	vadd.f32 v40, v10;
	v38 =	vmul.f32 v49, v27;
	v51 =	vld [tilespmem:s11+$0x10]  }
0x284: {  	v41 =	vmul.f32 v41, v5;
	v18 =	vadd.f32 v18, v13;
	v52 =	vmul.f32 v43, v31  }
0x285: {  	[tilespmem:s15+$0x80] =	vst v1;
	v1 =	vadd.f32 v39, v10;
	v38 =	vadd.f32 v38, v24  }
0x286: {  	v53 =	vadd.f32 v41, v13;
	v37 =	vmul.f32 v50, v19;
	v54 =	vld [tilespmem:s11+$0x90];
	[tilespmem:s18+$0xFFFFFF30] =	vst v18;
	v18 =	vadd.f32 v52, v23  }
0x287: {  	v55 =	vld [tilespmem:s19+$0xFFFFFF40];
	[tilespmem:s15+$0xFFFFFF00] =	vst v1;
	v38 =	vmul.f32 v38, v3  }
0x288: {  	[tilespmem:s18+$0x30] =	vst v53;
	v1 =	vadd.f32 v37, v20;
	v57 =	vld [tilespmem:s11+$0xFFFFFF10];
	v56 =	vmul.f32 v51, v28;
	v18 =	vmul.f32 v18, v6  }
0x289: {  	v58 =	vld [tilespmem:s19+$0x40];
	v38 =	vadd.f32 v38, v11  }
0x28a: {  	v1 =	vmul.f32 v1, v6;
	v37 =	vadd.f32 v56, v26;
	v18 =	vadd.f32 v18, v14  }
0x28b: {  	v41 =	vmul.f32 v54, v33;
	[tilespmem:s15+$0xFFFFFF90] =	vst v38  }
0x28c: {  	v1 =	vadd.f32 v1, v14;
	v59 =	vmul.f32 v55, v29;
	v37 =	vmul.f32 v37, v3;
	v60 =	vld [tilespmem:s11+$0xFFFFFFA0];
	[tilespmem:s18+$0xC0] =	vst v18  }
0x28d: {  	v18 =	vadd.f32 v41, v36;
	v39 =	vmul.f32 v57, v34;
	v61 =	vld [tilespmem:s19+$0xD0]  }
0x28e: {  	[tilespmem:s18+$0xFFFFFFC0] =	vst v1;
	v1 =	vmul.f32 v58, v21;
	v38 =	vadd.f32 v59, v25;
	v37 =	vadd.f32 v37, v11  }
0x28f: {  	v62 =	vld [tilespmem:s19+$0xFFFFFFD0];
	v18 =	vmul.f32 v18, v3;
	v39 =	vadd.f32 v39, v35  }
0x290: {  	v1 =	vadd.f32 v1, v22;
	v63 =	vmul.f32 v38, v6;
	[tilespmem:s15+$0x10] =	vst v37  }
0x291: {  	v18 =	vadd.f32 v18, v11;
	v39 =	vmul.f32 v39, v3;
	v45 =	vld [tilespmem:s11+$0x20];
	v42 =	vmul.f32 v60, v27  }
0x292: {  	v1 =	vmul.f32 v1, v6;
	v37 =	vadd.f32 v63, v14;
	v41 =	vmul.f32 v61, v31  }
0x293: {  	[tilespmem:s15+$0x90] =	vst v18;
	v18 =	vadd.f32 v39, v11;
	v46 =	vadd.f32 v42, v24  }
0x294: {  	v40 =	vmul.f32 v62, v19;
	v47 =	vld [tilespmem:s11+$0xA0];
	v1 =	vadd.f32 v1, v14;
	[tilespmem:s18+$0xFFFFFF40] =	vst v37;
	v48 =	vadd.f32 v41, v23  }
0x295: {  	v49 =	vld [tilespmem:s19+$0xFFFFFF50];
	[tilespmem:s15+$0xFFFFFF10] =	vst v18;
	v18 =	vmul.f32 v46, v4  }
0x296: {  	v50 =	vadd.f32 v40, v20;
	[tilespmem:s18+$0x40] =	vst v1;
	v51 =	vld [tilespmem:s11+$0xFFFFFF20];
	v1 =	vmul.f32 v45, v28;
	v37 =	vmul.f32 v48, v7  }
0x297: {  	v52 =	vld [tilespmem:s19+$0x50];
	v18 =	vadd.f32 v18, v12  }
0x298: {  	v39 =	vmul.f32 v50, v7;
	v1 =	vadd.f32 v1, v26;
	v37 =	vadd.f32 v37, v15  }
0x299: {  	v42 =	vmul.f32 v47, v33;
	[tilespmem:s15+$0xFFFFFFA0] =	vst v18  }
0x29a: {  	v18 =	vadd.f32 v39, v15;
	v53 =	vmul.f32 v49, v29;
	v1 =	vmul.f32 v1, v4;
	v54 =	vld [tilespmem:s11+$0xFFFFFFB0];
	[tilespmem:s18+$0xD0] =	vst v37  }
0x29b: {  	v55 =	vadd.f32 v42, v36;
	v38 =	vmul.f32 v51, v34;
	v56 =	vld [tilespmem:s19+$0xE0]  }
0x29c: {  	[tilespmem:s18+$0xFFFFFFD0] =	vst v18;
	v18 =	vmul.f32 v52, v21;
	v39 =	vadd.f32 v53, v25;
	v1 =	vadd.f32 v1, v12  }
0x29d: {  	v57 =	vld [tilespmem:s19+$0xFFFFFFE0];
	v37 =	vmul.f32 v55, v4;
	v38 =	vadd.f32 v38, v35  }
0x29e: {  	v18 =	vadd.f32 v18, v22;
	[tilespmem:s15+$0x20] =	vst v1;
	v1 =	vmul.f32 v39, v7  }
0x29f: {  	v37 =	vadd.f32 v37, v12;
	v38 =	vmul.f32 v38, v4;
	v58 =	vld [tilespmem:s11+$0x30];
	v59 =	vmul.f32 v54, v27  }
0x2a0: {  	v18 =	vmul.f32 v18, v7;
	v1 =	vadd.f32 v1, v15;
	v60 =	vmul.f32 v56, v31  }
0x2a1: {  	[tilespmem:s15+$0xA0] =	vst v37;
	v61 =	vadd.f32 v38, v12;
	v62 =	vadd.f32 v59, v24  }
0x2a2: {  	v40 =	vld [tilespmem:s11+$0xB0];
	v18 =	vadd.f32 v18, v15;
	v63 =	vmul.f32 v57, v19;
	[tilespmem:s18+$0xFFFFFF50] =	vst v1;
	v1 =	vadd.f32 v60, v23  }
0x2a3: {  	s3 =	smov.u32 s19;
	s0 =	smov.u32 s18;
	[tilespmem:s15+$0xFFFFFF20] =	vst v61;
	v43 =	vmul.f32 v62, v5;
	v37 =	vld [tilespmem:s19+$0xFFFFFF60]  }
0x2a4: {  	s16 =	simm.s32 $0x8;
	s20 =	sadd.s32 $0x200, s11;
	s9 =	smov.u32 s15;
	v38 =	vadd.f32 v63, v20;
	v41 =	vld [tilespmem:s11+$0xFFFFFF30];
	[tilespmem:s18+$0x50] =	vst v18;
	v42 =	vmul.f32 v58, v28;
	v39 =	vmul.f32 v1, v8  }
.LBB2_15:
0x2a5: {  	v1 =	vld [tilespmem:s20+$0xFFFFFF80];
	p0 =	slt.u32 s16, $0xC;
	v18 =	vadd.f32 v43, v13;
	s21 =	smov.u32 s16;
	s16 =	sadd.s32 $0x4, s16  }
0x2a6: {  	s28 =	sadd.s32 $0x1, s21;
	v39 =	vadd.f32 v39, v16  }
0x2a7: {  	v38 =	vmul.f32 v38, v8;
	v43 =	vmov s28;
	[tilespmem:s15+$0xFFFFFFB0] =	vst v18;
	v18 =	vmul.f32 v40, v33;
	v40 =	vld [tilespmem:s3+$0x60]  }
0x2a8: {  	v42 =	vadd.f32 v42, v26;
	v44 =	vperm.xlane v30, v43;
	v45 =	vld [tilespmem:s11+$0xFFFFFFC0];
	v37 =	vmul.f32 v37, v29;
	[tilespmem:s0+$0xE0] =	vst v39  }
0x2a9: {  	s28 =	sadd.s32 $0x2, s21;
	v39 =	vmov s21;
	v43 =	vperm.xlane v32, v43;
	v46 =	vld [tilespmem:s20+$0x80];
	v18 =	vadd.f32 v18, v36  }
0x2aa: {  	v38 =	vadd.f32 v38, v16;
	v47 =	vmov s28;
	v1 =	vmul.f32 v1, v44;
	v48 =	vld [tilespmem:s3+$0xF0]  }
0x2ab: {  	s21 =	sadd.s32 $0x3, s21;
	v49 =	vperm.xlane v30, v47;
	v41 =	vmul.f32 v41, v34;
	v37 =	vadd.f32 v37, v25;
	v50 =	vld [tilespmem:s20+$0x0]  }
0x2ac: {  	v47 =	vperm.xlane v32, v47;
	v1 =	vadd.f32 v1, v43;
	[tilespmem:s0+$0xFFFFFFE0] =	vst v38;
	v38 =	vmul.f32 v40, v21  }
0x2ad: {  	v41 =	vadd.f32 v41, v35;
	v40 =	vmov s21;
	v37 =	vmul.f32 v37, v8;
	v51 =	vld [tilespmem:s3+$0xFFFFFFF0]  }
0x2ae: {  	v52 =	vperm.xlane v32, v40;
	v1 =	vmul.f32 v1, v2;
	v38 =	vadd.f32 v38, v22  }
0x2af: {  	v18 =	vmul.f32 v18, v5;
	v40 =	vperm.xlane v30, v40;
	v37 =	vadd.f32 v37, v16  }
0x2b0: {  	v53 =	vld [tilespmem:s20+$0xFFFFFF00];
	v1 =	vadd.f32 v1, v10;
	v50 =	vmul.f32 v50, v49;
	v38 =	vmul.f32 v38, v8  }
0x2b1: {  	s15 =	sadd.s32 $0x200, s15;
	v45 =	vmul.f32 v45, v27;
	v18 =	vadd.f32 v18, v13;
	v46 =	vmul.f32 v46, v40;
	[tilespmem:s0+$0xFFFFFF60] =	vst v37  }
0x2b2: {  	v31 =	vmul.f32 v48, v31;
	v37 =	vperm.xlane v30, v39;
	[tilespmem:s15+$0xFFFFFF80] =	vst v1;
	v1 =	vadd.f32 v50, v47;
	v50 =	vld [tilespmem:s3+$0xFFFFFF70]  }
0x2b3: {  	v46 =	vadd.f32 v46, v52;
	v38 =	vadd.f32 v38, v16;
	v48 =	vld [tilespmem:s20+$0xFFFFFF90];
	[tilespmem:s9+$0xB0] =	vst v18;
	v18 =	vmul.f32 v51, v19  }
0x2b4: {  	v45 =	vadd.f32 v45, v24;
	v23 =	vadd.f32 v31, v23;
	v19 =	vmovc v27;
	v1 =	vmul.f32 v1, v2;
	v51 =	vld [tilespmem:s11+$0xC0]  }
0x2b5: {  	v39 =	vperm.xlane v32, v39;
	v31 =	vmul.f32 v53, v37;
	v18 =	vadd.f32 v18, v20;
	[tilespmem:s0+$0x60] =	vst v38  }
0x2b6: {  	v45 =	vmul.f32 v45, v6;
	v27 =	vmovc v44;
	v38 =	vmul.f32 v46, v2;
	v1 =	vadd.f32 v1, v10;
	v46 =	vld [tilespmem:s3+$0x70];
	s3 =	smov.u32 s11;
	s11 =	smov.u32 s20  }
0x2b7: {  	v41 =	vmul.f32 v41, v5;
	v23 =	vmul.f32 v23, v9;
	v20 =	vmovc v24;
	v31 =	vadd.f32 v31, v39  }
0x2b8: {  	v42 =	vmul.f32 v42, v5;
	v24 =	vmovc v43;
	v38 =	vadd.f32 v38, v10;
	v29 =	vmul.f32 v50, v29  }
0x2b9: {  	v50 =	vadd.f32 v23, v17;
	v31 =	vmul.f32 v31, v2;
	[tilespmem:s15+$0x0] =	vst v1;
	v1 =	vmul.f32 v51, v33  }
0x2ba: {  	v43 =	vmul.f32 v48, v27;
	v44 =	vld [tilespmem:s20+$0x10];
	[tilespmem:s15+$0x80] =	vst v38;
	v38 =	vadd.f32 v41, v13;
	v41 =	vadd.f32 v42, v13  }
0x2bb: {  	v25 =	vadd.f32 v29, v25;
	v31 =	vadd.f32 v31, v10;
	v42 =	vld [tilespmem:s20+$0x90];
	v29 =	vmul.f32 v46, v21;
	[tilespmem:s0+$0xF0] =	vst v50  }
0x2bc: {  	v18 =	vmul.f32 v18, v9;
	v23 =	vmovc v36;
	v43 =	vadd.f32 v43, v24;
	v21 =	vmovc v28;
	v28 =	vmov v49  }
0x2bd: {  	v1 =	vadd.f32 v1, v23;
	v25 =	vmul.f32 v25, v9;
	[tilespmem:s9+$0xFFFFFF30] =	vst v38;
	v22 =	vadd.f32 v29, v22  }
0x2be: {  	v36 =	vadd.f32 v45, v14;
	v18 =	vadd.f32 v18, v17;
	v29 =	vmul.f32 v43, v3;
	v38 =	vld [tilespmem:s3+$0xFFFFFF40];
	[tilespmem:s9+$0x30] =	vst v41  }
0x2bf: {  	v1 =	vmul.f32 v1, v6;
	v25 =	vadd.f32 v25, v17;
	[tilespmem:s15+$0xFFFFFF00] =	vst v31;
	v45 =	vmul.f32 v44, v28;
	v41 =	vld [tilespmem:s3+$0x40]  }
0x2c0: {  	v46 =	vadd.f32 v29, v11;
	v43 =	vld [tilespmem:s20+$0xFFFFFF10];
	v42 =	vmul.f32 v42, v40;
	[tilespmem:s0+$0xFFFFFFF0] =	vst v18;
	v18 =	vmul.f32 v22, v9  }
0x2c1: {  	v1 =	vadd.f32 v1, v14;
	v44 =	vadd.f32 v45, v47;
	[tilespmem:s0+$0xFFFFFF70] =	vst v25;
	v22 =	vmovc v26;
	v26 =	vmov v47  }
0x2c2: {  	v31 =	vmovc v33;
	v47 =	vadd.f32 v42, v52;
	[tilespmem:s9+$0xFFFFFFC0] =	vst v36;
	v18 =	vadd.f32 v18, v17;
	v36 =	vmov v52  }
0x2c3: {  	v33 =	vmovc v40;
	v29 =	vmov v34;
	[tilespmem:s15+$0xFFFFFF90] =	vst v46;
	v42 =	vmul.f32 v44, v3;
	v38 =	vmul.f32 v38, v34;
	v44 =	vld [tilespmem:s3+$0xFFFFFFD0]  }
0x2c4: {  	v25 =	vmovc v35;
	v34 =	vmov v37;
	v40 =	vld [tilespmem:s20+$0xFFFFFFA0];
	v45 =	vmul.f32 v47, v3;
	v41 =	vmul.f32 v41, v21;
	[tilespmem:s9+$0xC0] =	vst v1  }
0x2c5: {  	v1 =	vmul.f32 v43, v34;
	v37 =	vadd.f32 v42, v11;
	v38 =	vadd.f32 v38, v25;
	v42 =	vld [tilespmem:s3+$0xD0];
	[tilespmem:s0+$0x70] =	vst v18;
	s0 =	smov.u32 s9;
	s9 =	smov.u32 s15  }
0x2c6: {  	v35 =	vmov v39;
	v18 =	vadd.f32 v41, v22  }
0x2c7: {  	v1 =	vadd.f32 v1, v35;
	[tilespmem:s15+$0x10] =	vst v37;
	v37 =	vadd.f32 v45, v11;
	v38 =	vmul.f32 v38, v6  }
0x2c8: {  	v39 =	vld [tilespmem:s20+$0x20];
	v41 =	vmul.f32 v44, v19;
	v18 =	vmul.f32 v18, v6  }
0x2c9: {  	v1 =	vmul.f32 v1, v3;
	v40 =	vmul.f32 v40, v27;
	[tilespmem:s15+$0x90] =	vst v37;
	v37 =	vadd.f32 v38, v14  }
0x2ca: {  	v38 =	vld [tilespmem:s20+$0xA0];
	v41 =	vadd.f32 v41, v20;
	v18 =	vadd.f32 v18, v14;
	v42 =	vmul.f32 v42, v31  }
0x2cb: {  	v1 =	vadd.f32 v1, v11;
	v40 =	vadd.f32 v40, v24;
	[tilespmem:s0+$0xFFFFFF40] =	vst v37  }
0x2cc: {  	v37 =	vld [tilespmem:s3+$0xFFFFFF50];
	v41 =	vmul.f32 v41, v7;
	[tilespmem:s0+$0x40] =	vst v18;
	v18 =	vadd.f32 v42, v23  }
0x2cd: {  	[tilespmem:s15+$0xFFFFFF10] =	vst v1;
	v1 =	vmul.f32 v40, v4;
	v39 =	vmul.f32 v39, v28;
	v40 =	vld [tilespmem:s3+$0x50]  }
0x2ce: {  	v42 =	vld [tilespmem:s20+$0xFFFFFF20];
	v41 =	vadd.f32 v41, v15;
	v18 =	vmul.f32 v18, v7  }
0x2cf: {  	v1 =	vadd.f32 v1, v12;
	v39 =	vadd.f32 v39, v26;
	v38 =	vmul.f32 v38, v33  }
0x2d0: {  	[tilespmem:s0+$0xFFFFFFD0] =	vst v41;
	v18 =	vadd.f32 v18, v15  }
0x2d1: {  	[tilespmem:s15+$0xFFFFFFA0] =	vst v1;
	v1 =	vmul.f32 v39, v4;
	v38 =	vadd.f32 v38, v36;
	v37 =	vmul.f32 v37, v29;
	v39 =	vld [tilespmem:s3+$0xFFFFFFE0]  }
0x2d2: {  	v41 =	vld [tilespmem:s20+$0xFFFFFFB0];
	v40 =	vmul.f32 v40, v21;
	[tilespmem:s0+$0xD0] =	vst v18  }
0x2d3: {  	v18 =	vmul.f32 v42, v34;
	v1 =	vadd.f32 v1, v12;
	v38 =	vmul.f32 v38, v4;
	v42 =	vld [tilespmem:s3+$0xE0]  }
0x2d4: {  	v37 =	vadd.f32 v37, v25;
	v40 =	vadd.f32 v40, v22  }
0x2d5: {  	v18 =	vadd.f32 v18, v35;
	[tilespmem:s15+$0x20] =	vst v1;
	v1 =	vadd.f32 v38, v12  }
0x2d6: {  	v37 =	vmul.f32 v37, v7;
	v38 =	vld [tilespmem:s20+$0x30];
	v43 =	vmul.f32 v40, v7  }
0x2d7: {  	v18 =	vmul.f32 v18, v4;
	v41 =	vmul.f32 v41, v27;
	[tilespmem:s15+$0xA0] =	vst v1  }
.Ltmp6:
0x2d8: {  	v1 =	vadd.f32 v37, v15;
	v40 =	vld [tilespmem:s20+$0xB0];
	v44 =	vadd.f32 v43, v15;
	v37 =	vmul.f32 v42, v31;
	(pc) =	sbr.rel @p0 .LBB2_15-.Ltmp6, $4  }
0x2d9: {  	v39 =	vmul.f32 v39, v19;
	v18 =	vadd.f32 v18, v12;
	v41 =	vadd.f32 v41, v24  }
0x2da: {  	[tilespmem:s0+$0xFFFFFF50] =	vst v1;
	v1 =	vadd.f32 v37, v23  }
0x2db: {  	[tilespmem:s15+$0xFFFFFF20] =	vst v18;
	v43 =	vmul.f32 v41, v5;
	v42 =	vmul.f32 v38, v28;
	v37 =	vld [tilespmem:s3+$0xFFFFFF60];
	v38 =	vadd.f32 v39, v20  }
0x2dc: {  	s20 =	sadd.s32 $0x200, s20;
	v41 =	vld [tilespmem:s11+$0xFFFFFF30];
	[tilespmem:s0+$0x50] =	vst v44;
	v39 =	vmul.f32 v1, v8  }
0x2dd: {  	_ =	sdelay $0x1  }
0x2de: {  	v1 =	vmul.f32 v40, v33;
	_ =	sdelay $0x1  }
0x2df: {  	v1 =	vadd.f32 v1, v36;
	v18 =	vmul.f32 v41, v34;
	_ =	sdelay $0x1  }
0x2e0: {  	v1 =	vmul.f32 v1, v5;
	v18 =	vadd.f32 v18, v35  }
0x2e1: {  	v30 =	vadd.f32 v42, v26  }
0x2e2: {  	v1 =	vadd.f32 v1, v13;
	v18 =	vmul.f32 v18, v5  }
0x2e3: {  	v32 =	vadd.f32 v43, v13;
	v30 =	vmul.f32 v30, v5  }
0x2e4: {  	[tilespmem:s9+$0xB0] =	vst v1;
	v1 =	vadd.f32 v18, v13  }
0x2e5: {  	[tilespmem:s15+$0xFFFFFFB0] =	vst v32;
	v30 =	vadd.f32 v30, v13;
	v18 =	vld [tilespmem:s11+$0xC0]  }
0x2e6: {  	v32 =	vld [tilespmem:s11+$0xFFFFFFC0];
	[tilespmem:s9+$0xFFFFFF30] =	vst v1  }
0x2e7: {  	[tilespmem:s9+$0x30] =	vst v30;
	v1 =	vld [tilespmem:s11+$0xFFFFFF40]  }
0x2e8: {  	v30 =	vld [tilespmem:s11+$0x40];
	_ =	sdelay $0x1  }
0x2e9: {  	v18 =	vmul.f32 v18, v33  }
0x2ea: {  	v32 =	vmul.f32 v32, v27  }
0x2eb: {  	v18 =	vadd.f32 v18, v36;
	v1 =	vmul.f32 v1, v34  }
0x2ec: {  	v32 =	vadd.f32 v32, v24;
	v30 =	vmul.f32 v30, v28  }
0x2ed: {  	v18 =	vmul.f32 v18, v6;
	v1 =	vadd.f32 v1, v35  }
0x2ee: {  	v32 =	vmul.f32 v32, v6;
	v30 =	vadd.f32 v30, v26  }
0x2ef: {  	v18 =	vadd.f32 v18, v14;
	v1 =	vmul.f32 v1, v6  }
0x2f0: {  	v32 =	vadd.f32 v32, v14;
	v30 =	vmul.f32 v30, v6  }
0x2f1: {  	[tilespmem:s9+$0xC0] =	vst v18;
	v1 =	vadd.f32 v1, v14  }
0x2f2: {  	[tilespmem:s9+$0xFFFFFFC0] =	vst v32;
	v30 =	vadd.f32 v30, v14;
	v18 =	vld [tilespmem:s11+$0xD0]  }
0x2f3: {  	v32 =	vld [tilespmem:s11+$0xFFFFFFD0];
	[tilespmem:s9+$0xFFFFFF40] =	vst v1  }
0x2f4: {  	[tilespmem:s9+$0x40] =	vst v30;
	v1 =	vld [tilespmem:s11+$0xFFFFFF50]  }
0x2f5: {  	v30 =	vld [tilespmem:s11+$0x50];
	_ =	sdelay $0x1  }
0x2f6: {  	v18 =	vmul.f32 v18, v33  }
0x2f7: {  	v32 =	vmul.f32 v32, v27  }
0x2f8: {  	v18 =	vadd.f32 v18, v36;
	v1 =	vmul.f32 v1, v34  }
0x2f9: {  	v32 =	vadd.f32 v32, v24;
	v30 =	vmul.f32 v30, v28  }
0x2fa: {  	v18 =	vmul.f32 v18, v7;
	v1 =	vadd.f32 v1, v35  }
0x2fb: {  	v32 =	vmul.f32 v32, v7;
	v30 =	vadd.f32 v30, v26  }
0x2fc: {  	v18 =	vadd.f32 v18, v15;
	v1 =	vmul.f32 v1, v7  }
0x2fd: {  	v32 =	vadd.f32 v32, v15;
	v30 =	vmul.f32 v30, v7  }
0x2fe: {  	v63 =	vld [tilespmem:s3+$0x60];
	[tilespmem:s9+$0xD0] =	vst v18;
	v1 =	vadd.f32 v1, v15  }
0x2ff: {  	[tilespmem:s9+$0xFFFFFFD0] =	vst v32;
	v30 =	vadd.f32 v30, v15;
	v18 =	vld [tilespmem:s11+$0xE0]  }
0x300: {  	v45 =	vld [tilespmem:s11+$0xFFFFFFE0];
	[tilespmem:s9+$0xFFFFFF50] =	vst v1  }
0x301: {  	[tilespmem:s9+$0x50] =	vst v30;
	v1 =	vld [tilespmem:s11+$0xFFFFFF60]  }
0x302: {  	v44 =	vmul.f32 v37, v29;
	v47 =	vld [tilespmem:s11+$0x60]  }
0x303: {  	v38 =	vmul.f32 v38, v8;
	v40 =	vmul.f32 v63, v21  }
0x304: {  	v39 =	vadd.f32 v39, v16;
	v46 =	vadd.f32 v44, v25;
	v18 =	vmul.f32 v18, v33  }
0x305: {  	v38 =	vadd.f32 v38, v16;
	v40 =	vadd.f32 v40, v22;
	v37 =	vmul.f32 v45, v27  }
0x306: {  	[tilespmem:s0+$0xE0] =	vst v39;
	v30 =	vmul.f32 v46, v8;
	v18 =	vadd.f32 v18, v36;
	v1 =	vmul.f32 v1, v34  }
0x307: {  	v39 =	vld [tilespmem:s3+$0xF0];
	[tilespmem:s0+$0xFFFFFFE0] =	vst v38;
	v40 =	vmul.f32 v40, v8;
	v37 =	vadd.f32 v37, v24;
	v32 =	vmul.f32 v47, v28  }
0x308: {  	v38 =	vld [tilespmem:s3+$0xFFFFFFF0];
	v30 =	vadd.f32 v30, v16;
	v18 =	vmul.f32 v18, v8;
	v1 =	vadd.f32 v1, v35  }
0x309: {  	v48 =	vadd.f32 v40, v16;
	v37 =	vmul.f32 v37, v8;
	v32 =	vadd.f32 v32, v26  }
0x30a: {  	[tilespmem:s0+$0xFFFFFF60] =	vst v30;
	v18 =	vadd.f32 v18, v16;
	v1 =	vmul.f32 v1, v8  }
0x30b: {  	[tilespmem:s0+$0x60] =	vst v48;
	v49 =	vld [tilespmem:s3+$0xFFFFFF70];
	v50 =	vadd.f32 v37, v16;
	v32 =	vmul.f32 v32, v8  }
0x30c: {  	v31 =	vmul.f32 v39, v31;
	v51 =	vld [tilespmem:s3+$0x70];
	[tilespmem:s9+$0xE0] =	vst v18;
	v1 =	vadd.f32 v1, v16  }
0x30d: {  	v19 =	vmul.f32 v38, v19;
	[tilespmem:s9+$0xFFFFFFE0] =	vst v50;
	v52 =	vadd.f32 v32, v16;
	v18 =	vld [tilespmem:s11+$0xF0]  }
0x30e: {  	v23 =	vadd.f32 v31, v23;
	v53 =	vld [tilespmem:s11+$0xFFFFFFF0];
	[tilespmem:s9+$0xFFFFFF60] =	vst v1  }
0x30f: {  	v19 =	vadd.f32 v19, v20;
	[tilespmem:s9+$0x60] =	vst v52;
	v54 =	vld [tilespmem:s11+$0xFFFFFF70]  }
0x310: {  	v55 =	vmul.f32 v23, v9;
	v56 =	vld [tilespmem:s11+$0x70];
	v1 =	vmul.f32 v49, v29  }
0x311: {  	v19 =	vmul.f32 v19, v9;
	v57 =	vmul.f32 v51, v21  }
0x312: {  	v20 =	vadd.f32 v55, v17;
	v1 =	vadd.f32 v1, v25;
	v18 =	vmul.f32 v18, v33  }
0x313: {  	v19 =	vadd.f32 v19, v17;
	v21 =	vadd.f32 v57, v22;
	v58 =	vmul.f32 v53, v27  }
0x314: {  	v1 =	vmul.f32 v1, v9;
	v18 =	vadd.f32 v18, v36;
	v59 =	vmul.f32 v54, v34  }
0x315: {  	v21 =	vmul.f32 v21, v9;
	v22 =	vadd.f32 v58, v24;
	v23 =	vmul.f32 v56, v28  }
0x316: {  	[tilespmem:s0+$0xF0] =	vst v20;
	v1 =	vadd.f32 v1, v17;
	v18 =	vmul.f32 v18, v9;
	v60 =	vadd.f32 v59, v35  }
0x317: {  	s10 =	sadd.s32 $0x1, s10;
	[tilespmem:s0+$0xFFFFFFF0] =	vst v19;
	v19 =	vadd.f32 v21, v17;
	v61 =	vmul.f32 v22, v9;
	v62 =	vadd.f32 v23, v26  }
0x318: {  	p0 =	sne.s32 s10, $0x4;
	[tilespmem:s0+$0xFFFFFF70] =	vst v1;
	v1 =	vadd.f32 v18, v17;
	v18 =	vmul.f32 v60, v9  }
.Ltmp7:
0x319: {  	[tilespmem:s0+$0x70] =	vst v19;
	v19 =	vadd.f32 v61, v17;
	v63 =	vmul.f32 v62, v9;
	(pc) =	sbr.rel @p0 .LBB2_12-.Ltmp7, $4  }
0x31a: {  	[tilespmem:s9+$0xF0] =	vst v1;
	v1 =	vadd.f32 v18, v17  }
0x31b: {  	[tilespmem:s9+$0xFFFFFFF0] =	vst v19;
	v18 =	vadd.f32 v63, v17  }
0x31c: {  	[tilespmem:s9+$0xFFFFFF70] =	vst v1  }
0x31d: {  	s18 =	sadd.s32 $0x800, s18;
	s19 =	sadd.s32 $0x800, s19;
	[tilespmem:s9+$0x70] =	vst v18  }
0x31e: {  	s1 =	sadd.s32 $0x1, s1  }
0x31f: {  	p0 =	sne.s32 s1, $0xC8  }
.Ltmp8:
0x320: {  	s0 =	sshll.u32 s2, $0xD;
	(pc) =	sbr.rel @p0 .LBB2_2-.Ltmp8, $4  }
0x321: {  	s0 =	sadd.s32 s13, s0  }
0x322: {  	s0 =	sshrl.u32 s0, $0x3  }
0x323: {  	s30 =	simm.s32 $0x1C700;
	s0 =	sadd.s32 s5, s0  }
0x324: {  	[hbm4b:s0+s6] =	stream.linear.scatter [tilespmem:s30], [sflag:$0x6], $0x2000, $0x38;
	[tilespmem:$0x1E800] =	vst v63  }
0x325: {  	_ =	swait.ge [sflag:s31], $0x2000  }
0x326: {  	[sflag:s31] =	ssyncset.done $0x0  }
0x327: {  	s1 =	simm.s32 $0x6;
	[sflag:s31] =	ssyncadd.s32 $0xFFFFE000  }
0x328: {  	_ =	swait.ge [sflag:s1], $0x2000  }
0x329: {  	s2 =	rddreg [dreg:$0xa]  }
0x32a: {  	s0 =	rddreg [dreg:$0x9];
	s2 =	sadd.s32 $0x1, s2  }
0x32b: {  	p0 =	sne.s32 s2, s0  }
.Ltmp9:
0x32c: {  	_ = 	snop;
	(pc) =	sbr.rel @p0 .LBB2_1-.Ltmp9, $3  }
0x32d: {  	_ =	sdelay $0x1  }
0x32e: {  	[sflag:s1] =	ssyncset.done $0x0  }
0x32f: {  	[sflag:s1] =	ssyncadd.s32 $0xFFFFE000  }
0x330: {  	_ =	sfence.sel $0x180000  }
0x331: {  	[bflag:$0x0] =	sbarrier.arrive $0xFFFF  }
0x332: {  	_ =	strace $0x90000047  }
0x333: {  	s0 =	stileid.u32;
	[bflag:$0x2] =	sbarrier.arrive $0xFFFF  }
0x334: {  	p0 =	sne.s32 s0, $0x0;
	s0 =	rddreg [dreg:$0x5]  }
0x335: {  	s0 =	sadd.s32 @!p0 $0x100000, s0  }
0x336: {  	[sflag:s0] =	ssyncadd.tile.s32 @!p0 $0x1;
	_ =	shalt  }
.Lfunc_end2:
_tile_overlayer_lowered:
.L_overlay_start_2:
0x337: {  	(tag) =	ssettag $0x2  }
0x338: {  	s0 =	rddreg [dreg:$0x0];
	s2 =	stileid.u32  }
0x339: {  	s1 =	rddreg [dreg:$0x1];
	p0 =	sne.s32 s2, $0x0  }
0x33a: {  	s3 =	rddreg [dreg:$0x2];
	[bflag:$0x3] =	sbarrier.arrive $0xFFFF;
	s2 =	simm.s32 @!p0 $0x1C07  }
0x33b: {  	[timem:s3], [sflag:s2] =	dma.local @!p0 [hbm:s0], s1  }
0x33c: {  	s0 =	simm.s32 @!p0 $0x7  }
0x33d: {  	_ =	swait.ge @!p0 [sflag:s0], s1  }
0x33e: {  	s1 =	ssub.s32 @!p0 $0x0, s1;
	[sflag:s0] =	ssyncset.done @!p0 $0x0  }
0x33f: {  	[sflag:s0] =	ssyncadd.s32 @!p0 s1  }
0x340: {  	[bflag:$0x3] =	sbarrier.arrive $0xFFFF  }
0x341: {  	_ =	shalt  }

</sc_bundles>
